<compile_context>
chip_gen: v7x
topology: tpu7x:2x2x1
jax: 0.10.2.dev20260603
libtpu: 0.0.44.dev20260713+nightly
codegen_flags: <defaults>
</compile_context>

<pallas_src>
import functools

import jax
import jax.numpy as jnp
from jax import lax
from jax.experimental import pallas as pl
from jax.experimental.pallas import tpu as pltpu
from jax.experimental.pallas import tpu_sc as plsc

_D = 64
_B = 4096 * 200
_NW = 32
_BLK = 128
_NBLK = _B // _BLK
_BLK_PER_W = _NBLK // _NW
_K = 5
_NITER = _BLK_PER_W // _K
_NITER2 = _NITER // 2


@functools.partial(
    pl.kernel,
    mesh=plsc.VectorSubcoreMesh(core_axis_name="c", subcore_axis_name="s"),
    out_type=jax.ShapeDtypeStruct((_B, _D), jnp.float32),
    scratch_types=[
        pltpu.VMEM((2, _K, _BLK), jnp.int32),
        pltpu.VMEM((2, _K * _BLK, _D), jnp.float32),
        pltpu.SemaphoreType.DMA,
        pltpu.SemaphoreType.DMA,
        pltpu.SemaphoreType.DMA,
        pltpu.SemaphoreType.DMA,
        pltpu.SemaphoreType.DMA,
    ],
    compiler_params=pltpu.CompilerParams(use_tc_tiling_on_sc=False),
)
def _embed_gather(idx_hbm, table_hbm, out_hbm, idx_v, rows_v, sem_i0, sem_i1,
                  sem_w0, sem_w1, sem_g):
    wid = lax.axis_index("s") * 2 + lax.axis_index("c")
    base = wid * _BLK_PER_W
    rbase = wid * _BLK_PER_W * _BLK
    _CR = _K * _BLK
    sem_i = (sem_i0, sem_i1)
    sem_w = (sem_w0, sem_w1)

    def start_idx(chunk, buf):
        return pltpu.async_copy(
            idx_hbm.at[pl.ds(base + chunk * _K, _K)], idx_v.at[buf], sem_i[buf])

    def fire_gathers(buf):
        return [
            pltpu.async_copy(
                table_hbm.at[idx_v.at[buf].at[j]],
                rows_v.at[buf].at[pl.ds(j * _BLK, _BLK)], sem_g)
            for j in range(_K)
        ]

    def start_write(chunk, buf):
        return pltpu.async_copy(
            rows_v.at[buf], out_hbm.at[pl.ds(rbase + chunk * _CR, _CR)],
            sem_w[buf])

    start_idx(0, 0).wait()
    g = fire_gathers(0)
    start_idx(1, 1)
    for c in g:
        c.wait()
    start_write(0, 0)

    pltpu.make_async_copy(
        idx_hbm.at[pl.ds(base, _K)], idx_v.at[1], sem_i[1]).wait()
    g = fire_gathers(1)
    start_idx(2, 0)
    for c in g:
        c.wait()
    start_write(1, 1)

    def body(gi, carry):
        for b in (0, 1):
            chunk = 2 * gi + b
            row = base + chunk * _K
            pltpu.make_async_copy(
                idx_hbm.at[pl.ds(row, _K)], idx_v.at[b], sem_i[b]).wait()
            pltpu.make_async_copy(
                rows_v.at[b], out_hbm.at[pl.ds(rbase, _CR)], sem_w[b]).wait()
            g = fire_gathers(b)
            nxt = lax.rem(chunk + 1, _NITER)
            start_idx(nxt, 1 - b)
            for c in g:
                c.wait()
            start_write(chunk, b)
        return carry

    lax.fori_loop(1, _NITER2, body, 0)

    pltpu.make_async_copy(
        idx_hbm.at[pl.ds(base, _K)], idx_v.at[0], sem_i[0]).wait()
    pltpu.make_async_copy(
        rows_v.at[0], out_hbm.at[pl.ds(rbase, _CR)], sem_w[0]).wait()
    pltpu.make_async_copy(
        rows_v.at[1], out_hbm.at[pl.ds(rbase, _CR)], sem_w[1]).wait()


def kernel(input_sentence, table):
    idx = input_sentence.reshape(_NBLK, _BLK).astype(jnp.int32)
    out = _embed_gather(idx, table)
    return out.reshape(input_sentence.shape + (_D,))

# --- scband reference (transcript-rebuilt; emitter-appended) ---
"""Pipeline reference for scband-word-embedding-68513318306087 (READ-ONLY COPY).

The authoritative reference and input builder live on the scoring server;
editing this copy changes nothing except your own understanding.
"""

import jax, jax.numpy as jnp
import numpy as np

VOCAB = 1000000
EMBED = 64

def setup_inputs(seed: int = 0) -> dict:
    key = jax.random.key(seed)
    k_idx, k_tab = jax.random.split(key)
    input_sentence = jax.random.randint(k_idx, (4096, 200), 0, VOCAB, dtype=jnp.int64 if jax.config.jax_enable_x64 else jnp.int32)
    table = jax.random.normal(k_tab, (VOCAB, EMBED), dtype=jnp.float32)
    return {"input_sentence": input_sentence, "table": table}

def reference(input_sentence, table):
    # nn.Embedding lookup: gather rows of the table by index
    sen_embed = jnp.take(table, input_sentence, axis=0)
    return sen_embed

if __name__ == "__main__":
    import jax
    _d = setup_inputs()
    print(jax.jit(kernel)(*tuple(_d.values())))

</pallas_src>

<mosaic_0001>
#map = affine_map<(d0, d1) -> (0, 0)>
module attributes {stable_mosaic.version = 14 : i64} {
  func.func @_embed_gather(%arg0: i32, %arg1: i32, %arg2: memref<6400x128xi32, #tpu.memory_space<hbm>>, %arg3: memref<1000000x64xf32, #tpu.memory_space<hbm>>, %arg4: memref<819200x64xf32, #tpu.memory_space<hbm>>, %arg5: memref<2x5x128xi32, #tpu.memory_space<vmem>>, %arg6: memref<2x640x64xf32, #tpu.memory_space<vmem>>, %arg7: memref<!tpu.dma_semaphore, #tpu.memory_space<semaphore_mem>>, %arg8: memref<!tpu.dma_semaphore, #tpu.memory_space<semaphore_mem>>, %arg9: memref<!tpu.dma_semaphore, #tpu.memory_space<semaphore_mem>>, %arg10: memref<!tpu.dma_semaphore, #tpu.memory_space<semaphore_mem>>, %arg11: memref<!tpu.dma_semaphore, #tpu.memory_space<semaphore_mem>>) attributes {dimension_semantics = [#tpu.dimension_semantics<core_parallel>, #tpu.dimension_semantics<subcore_parallel>], iteration_bounds = array<i64: 2, 16>, scalar_prefetch = 0 : i64, scratch_operands = 7 : i64, tpu.core_type = #tpu.core_type<sc_vector_subcore>, window_params = [{transform_indices = #map}, {transform_indices = #map}, {transform_indices = #map}]} {
    %mul3A = arith.constant 2 : i32
    %mul3A_0 = arith.muli %arg1, %mul3A : i32
    %add3A = arith.addi %mul3A_0, %arg0 : i32
    %mul3A_1 = arith.constant 200 : i32
    %mul3A_2 = arith.muli %add3A, %mul3A_1 : i32
    %mul3A_3 = arith.constant 200 : i32
    %mul3A_4 = arith.muli %add3A, %mul3A_3 : i32
    %mul3A_5 = arith.constant 128 : i32
    %mul3A_6 = arith.muli %mul3A_4, %mul3A_5 : i32
    %add3A_7 = arith.constant 0 : i32
    %add3A_8 = arith.addi %mul3A_2, %add3A_7 : i32
    %dma_start3A = arith.constant 0 : i32
    %dma_start3A_9 = arith.constant 0 : i32
    %dma_start3A_10 = arith.constant 0 : i32
    %dma_start3A_11 = tpu.memref_slice %arg5[%dma_start3A, %dma_start3A_9, %dma_start3A_10] : memref<2x5x128xi32, #tpu.memory_space<vmem>> -> memref<1x5x128xi32, #tpu.memory_space<vmem>>
    %dma_start3A_12 = tpu.memref_squeeze %dma_start3A_11 : memref<1x5x128xi32, #tpu.memory_space<vmem>> -> memref<5x128xi32, #tpu.memory_space<vmem>>
    %dma_start3A_13 = arith.constant 0 : i32
    %dma_start3A_14 = tpu.memref_slice %arg2[%add3A_8, %dma_start3A_13] : memref<6400x128xi32, #tpu.memory_space<hbm>> -> memref<5x128xi32, #tpu.memory_space<hbm>>
    %dma_start3A_15 = arith.constant 0 : i32
    %dma_start3A_16 = arith.constant 0 : i32
    %dma_start3A_17 = tpu.memref_slice %arg5[%dma_start3A, %dma_start3A_15, %dma_start3A_16] : memref<2x5x128xi32, #tpu.memory_space<vmem>> -> memref<1x5x128xi32, #tpu.memory_space<vmem>>
    %dma_start3A_18 = tpu.memref_squeeze %dma_start3A_17 : memref<1x5x128xi32, #tpu.memory_space<vmem>> -> memref<5x128xi32, #tpu.memory_space<vmem>>
    %dma_start3A_19 = arith.constant 0 : i32
    %dma_start3A_20 = tpu.memref_slice %arg2[%add3A_8, %dma_start3A_19] : memref<6400x128xi32, #tpu.memory_space<hbm>> -> memref<5x128xi32, #tpu.memory_space<hbm>>
    tpu.enqueue_dma source(%dma_start3A_20 : memref<5x128xi32, #tpu.memory_space<hbm>>) target(%dma_start3A_18 : memref<5x128xi32, #tpu.memory_space<vmem>>) target_semaphore(%arg7 : memref<!tpu.dma_semaphore, #tpu.memory_space<semaphore_mem>>)
    %dma_wait3A = arith.constant 0 : i32
    %dma_wait3A_21 = arith.constant 0 : i32
    %dma_wait3A_22 = arith.constant 0 : i32
    %dma_wait3A_23 = tpu.memref_slice %arg5[%dma_wait3A, %dma_wait3A_21, %dma_wait3A_22] : memref<2x5x128xi32, #tpu.memory_space<vmem>> -> memref<1x5x128xi32, #tpu.memory_space<vmem>>
    %dma_wait3A_24 = tpu.memref_squeeze %dma_wait3A_23 : memref<1x5x128xi32, #tpu.memory_space<vmem>> -> memref<5x128xi32, #tpu.memory_space<vmem>>
    %dma_wait3A_25 = arith.constant 0 : i32
    %dma_wait3A_26 = tpu.memref_slice %arg2[%add3A_8, %dma_wait3A_25] : memref<6400x128xi32, #tpu.memory_space<hbm>> -> memref<5x128xi32, #tpu.memory_space<hbm>>
    %dma_wait3A_27 = arith.constant 0 : i32
    %dma_wait3A_28 = arith.constant 0 : i32
    %dma_wait3A_29 = tpu.memref_slice %arg5[%dma_wait3A, %dma_wait3A_27, %dma_wait3A_28] : memref<2x5x128xi32, #tpu.memory_space<vmem>> -> memref<1x5x128xi32, #tpu.memory_space<vmem>>
    %dma_wait3A_30 = tpu.memref_squeeze %dma_wait3A_29 : memref<1x5x128xi32, #tpu.memory_space<vmem>> -> memref<5x128xi32, #tpu.memory_space<vmem>>
    %dma_wait3A_31 = arith.constant 0 : i32
    %dma_wait3A_32 = tpu.memref_slice %arg2[%add3A_8, %dma_wait3A_31] : memref<6400x128xi32, #tpu.memory_space<hbm>> -> memref<5x128xi32, #tpu.memory_space<hbm>>
    tpu.wait_dma2 semaphore(%arg7 : memref<!tpu.dma_semaphore, #tpu.memory_space<semaphore_mem>>) src(%dma_wait3A_32 : memref<5x128xi32, #tpu.memory_space<hbm>>) dst(%dma_wait3A_30 : memref<5x128xi32, #tpu.memory_space<vmem>>)
    %dma_start3A_33 = arith.constant 0 : i32
    %dma_start3A_34 = arith.constant 0 : i32
    %dma_start3A_35 = arith.constant 0 : i32
    %dma_start3A_36 = arith.constant 0 : i32
    %dma_start3A_37 = arith.constant 0 : i32
    %dma_start3A_38 = tpu.memref_slice %arg6[%dma_start3A_35, %dma_start3A_36, %dma_start3A_37] : memref<2x640x64xf32, #tpu.memory_space<vmem>> -> memref<1x640x64xf32, #tpu.memory_space<vmem>>
    %dma_start3A_39 = tpu.memref_squeeze %dma_start3A_38 : memref<1x640x64xf32, #tpu.memory_space<vmem>> -> memref<640x64xf32, #tpu.memory_space<vmem>>
    %dma_start3A_40 = arith.constant 0 : i32
    %dma_start3A_41 = arith.constant 0 : i32
    %dma_start3A_42 = tpu.memref_slice %dma_start3A_39[%dma_start3A_40, %dma_start3A_41] : memref<640x64xf32, #tpu.memory_space<vmem>> -> memref<128x64xf32, #tpu.memory_space<vmem>>
    %dma_start3A_43 = arith.constant 0 : i32
    %dma_start3A_44 = arith.constant 0 : i32
    %dma_start3A_45 = tpu.memref_slice %arg5[%dma_start3A_33, %dma_start3A_43, %dma_start3A_44] : memref<2x5x128xi32, #tpu.memory_space<vmem>> -> memref<1x5x128xi32, #tpu.memory_space<vmem>>
    %dma_start3A_46 = tpu.memref_squeeze %dma_start3A_45 : memref<1x5x128xi32, #tpu.memory_space<vmem>> -> memref<5x128xi32, #tpu.memory_space<vmem>>
    %dma_start3A_47 = arith.constant 0 : i32
    %dma_start3A_48 = tpu.memref_slice %dma_start3A_46[%dma_start3A_34, %dma_start3A_47] : memref<5x128xi32, #tpu.memory_space<vmem>> -> memref<1x128xi32, #tpu.memory_space<vmem>>
    %dma_start3A_49 = tpu.memref_squeeze %dma_start3A_48 : memref<1x128xi32, #tpu.memory_space<vmem>> -> memref<128xi32, #tpu.memory_space<vmem>>
    %dma_start3A_50 = arith.constant 0 : i32
    %dma_start3A_51 = arith.constant 0 : i32
    %dma_start3A_52 = tpu.memref_slice %arg3[%dma_start3A_50, %dma_start3A_51] : memref<1000000x64xf32, #tpu.memory_space<hbm>> -> memref<1000000x64xf32, #tpu.memory_space<hbm>>
    tpu.enqueue_indirect_dma source(%dma_start3A_52 : memref<1000000x64xf32, #tpu.memory_space<hbm>>) target(%dma_start3A_42 : memref<128x64xf32, #tpu.memory_space<vmem>>) offsets(%dma_start3A_49 : memref<128xi32, #tpu.memory_space<vmem>>) semaphore(%arg11 : memref<!tpu.dma_semaphore, #tpu.memory_space<semaphore_mem>>)
    %dma_start3A_53 = arith.constant 0 : i32
    %dma_start3A_54 = arith.constant 1 : i32
    %dma_start3A_55 = arith.constant 0 : i32
    %dma_start3A_56 = arith.constant 0 : i32
    %dma_start3A_57 = arith.constant 0 : i32
    %dma_start3A_58 = tpu.memref_slice %arg6[%dma_start3A_55, %dma_start3A_56, %dma_start3A_57] : memref<2x640x64xf32, #tpu.memory_space<vmem>> -> memref<1x640x64xf32, #tpu.memory_space<vmem>>
    %dma_start3A_59 = tpu.memref_squeeze %dma_start3A_58 : memref<1x640x64xf32, #tpu.memory_space<vmem>> -> memref<640x64xf32, #tpu.memory_space<vmem>>
    %dma_start3A_60 = arith.constant 128 : i32
    %dma_start3A_61 = arith.constant 0 : i32
    %dma_start3A_62 = tpu.memref_slice %dma_start3A_59[%dma_start3A_60, %dma_start3A_61] : memref<640x64xf32, #tpu.memory_space<vmem>> -> memref<128x64xf32, #tpu.memory_space<vmem>>
    %dma_start3A_63 = arith.constant 0 : i32
    %dma_start3A_64 = arith.constant 0 : i32
    %dma_start3A_65 = tpu.memref_slice %arg5[%dma_start3A_53, %dma_start3A_63, %dma_start3A_64] : memref<2x5x128xi32, #tpu.memory_space<vmem>> -> memref<1x5x128xi32, #tpu.memory_space<vmem>>
    %dma_start3A_66 = tpu.memref_squeeze %dma_start3A_65 : memref<1x5x128xi32, #tpu.memory_space<vmem>> -> memref<5x128xi32, #tpu.memory_space<vmem>>
    %dma_start3A_67 = arith.constant 0 : i32
    %dma_start3A_68 = tpu.memref_slice %dma_start3A_66[%dma_start3A_54, %dma_start3A_67] : memref<5x128xi32, #tpu.memory_space<vmem>> -> memref<1x128xi32, #tpu.memory_space<vmem>>
    %dma_start3A_69 = tpu.memref_squeeze %dma_start3A_68 : memref<1x128xi32, #tpu.memory_space<vmem>> -> memref<128xi32, #tpu.memory_space<vmem>>
    %dma_start3A_70 = arith.constant 0 : i32
    %dma_start3A_71 = arith.constant 0 : i32
    %dma_start3A_72 = tpu.memref_slice %arg3[%dma_start3A_70, %dma_start3A_71] : memref<1000000x64xf32, #tpu.memory_space<hbm>> -> memref<1000000x64xf32, #tpu.memory_space<hbm>>
    tpu.enqueue_indirect_dma source(%dma_start3A_72 : memref<1000000x64xf32, #tpu.memory_space<hbm>>) target(%dma_start3A_62 : memref<128x64xf32, #tpu.memory_space<vmem>>) offsets(%dma_start3A_69 : memref<128xi32, #tpu.memory_space<vmem>>) semaphore(%arg11 : memref<!tpu.dma_semaphore, #tpu.memory_space<semaphore_mem>>)
    %dma_start3A_73 = arith.constant 0 : i32
    %dma_start3A_74 = arith.constant 2 : i32
    %dma_start3A_75 = arith.constant 0 : i32
    %dma_start3A_76 = arith.constant 0 : i32
    %dma_start3A_77 = arith.constant 0 : i32
    %dma_start3A_78 = tpu.memref_slice %arg6[%dma_start3A_75, %dma_start3A_76, %dma_start3A_77] : memref<2x640x64xf32, #tpu.memory_space<vmem>> -> memref<1x640x64xf32, #tpu.memory_space<vmem>>
    %dma_start3A_79 = tpu.memref_squeeze %dma_start3A_78 : memref<1x640x64xf32, #tpu.memory_space<vmem>> -> memref<640x64xf32, #tpu.memory_space<vmem>>
    %dma_start3A_80 = arith.constant 256 : i32
    %dma_start3A_81 = arith.constant 0 : i32
    %dma_start3A_82 = tpu.memref_slice %dma_start3A_79[%dma_start3A_80, %dma_start3A_81] : memref<640x64xf32, #tpu.memory_space<vmem>> -> memref<128x64xf32, #tpu.memory_space<vmem>>
    %dma_start3A_83 = arith.constant 0 : i32
    %dma_start3A_84 = arith.constant 0 : i32
    %dma_start3A_85 = tpu.memref_slice %arg5[%dma_start3A_73, %dma_start3A_83, %dma_start3A_84] : memref<2x5x128xi32, #tpu.memory_space<vmem>> -> memref<1x5x128xi32, #tpu.memory_space<vmem>>
    %dma_start3A_86 = tpu.memref_squeeze %dma_start3A_85 : memref<1x5x128xi32, #tpu.memory_space<vmem>> -> memref<5x128xi32, #tpu.memory_space<vmem>>
    %dma_start3A_87 = arith.constant 0 : i32
    %dma_start3A_88 = tpu.memref_slice %dma_start3A_86[%dma_start3A_74, %dma_start3A_87] : memref<5x128xi32, #tpu.memory_space<vmem>> -> memref<1x128xi32, #tpu.memory_space<vmem>>
    %dma_start3A_89 = tpu.memref_squeeze %dma_start3A_88 : memref<1x128xi32, #tpu.memory_space<vmem>> -> memref<128xi32, #tpu.memory_space<vmem>>
    %dma_start3A_90 = arith.constant 0 : i32
    %dma_start3A_91 = arith.constant 0 : i32
    %dma_start3A_92 = tpu.memref_slice %arg3[%dma_start3A_90, %dma_start3A_91] : memref<1000000x64xf32, #tpu.memory_space<hbm>> -> memref<1000000x64xf32, #tpu.memory_space<hbm>>
    tpu.enqueue_indirect_dma source(%dma_start3A_92 : memref<1000000x64xf32, #tpu.memory_space<hbm>>) target(%dma_start3A_82 : memref<128x64xf32, #tpu.memory_space<vmem>>) offsets(%dma_start3A_89 : memref<128xi32, #tpu.memory_space<vmem>>) semaphore(%arg11 : memref<!tpu.dma_semaphore, #tpu.memory_space<semaphore_mem>>)
    %dma_start3A_93 = arith.constant 0 : i32
    %dma_start3A_94 = arith.constant 3 : i32
    %dma_start3A_95 = arith.constant 0 : i32
    %dma_start3A_96 = arith.constant 0 : i32
    %dma_start3A_97 = arith.constant 0 : i32
    %dma_start3A_98 = tpu.memref_slice %arg6[%dma_start3A_95, %dma_start3A_96, %dma_start3A_97] : memref<2x640x64xf32, #tpu.memory_space<vmem>> -> memref<1x640x64xf32, #tpu.memory_space<vmem>>
    %dma_start3A_99 = tpu.memref_squeeze %dma_start3A_98 : memref<1x640x64xf32, #tpu.memory_space<vmem>> -> memref<640x64xf32, #tpu.memory_space<vmem>>
    %dma_start3A_100 = arith.constant 384 : i32
    %dma_start3A_101 = arith.constant 0 : i32
    %dma_start3A_102 = tpu.memref_slice %dma_start3A_99[%dma_start3A_100, %dma_start3A_101] : memref<640x64xf32, #tpu.memory_space<vmem>> -> memref<128x64xf32, #tpu.memory_space<vmem>>
    %dma_start3A_103 = arith.constant 0 : i32
    %dma_start3A_104 = arith.constant 0 : i32
    %dma_start3A_105 = tpu.memref_slice %arg5[%dma_start3A_93, %dma_start3A_103, %dma_start3A_104] : memref<2x5x128xi32, #tpu.memory_space<vmem>> -> memref<1x5x128xi32, #tpu.memory_space<vmem>>
    %dma_start3A_106 = tpu.memref_squeeze %dma_start3A_105 : memref<1x5x128xi32, #tpu.memory_space<vmem>> -> memref<5x128xi32, #tpu.memory_space<vmem>>
    %dma_start3A_107 = arith.constant 0 : i32
    %dma_start3A_108 = tpu.memref_slice %dma_start3A_106[%dma_start3A_94, %dma_start3A_107] : memref<5x128xi32, #tpu.memory_space<vmem>> -> memref<1x128xi32, #tpu.memory_space<vmem>>
    %dma_start3A_109 = tpu.memref_squeeze %dma_start3A_108 : memref<1x128xi32, #tpu.memory_space<vmem>> -> memref<128xi32, #tpu.memory_space<vmem>>
    %dma_start3A_110 = arith.constant 0 : i32
    %dma_start3A_111 = arith.constant 0 : i32
    %dma_start3A_112 = tpu.memref_slice %arg3[%dma_start3A_110, %dma_start3A_111] : memref<1000000x64xf32, #tpu.memory_space<hbm>> -> memref<1000000x64xf32, #tpu.memory_space<hbm>>
    tpu.enqueue_indirect_dma source(%dma_start3A_112 : memref<1000000x64xf32, #tpu.memory_space<hbm>>) target(%dma_start3A_102 : memref<128x64xf32, #tpu.memory_space<vmem>>) offsets(%dma_start3A_109 : memref<128xi32, #tpu.memory_space<vmem>>) semaphore(%arg11 : memref<!tpu.dma_semaphore, #tpu.memory_space<semaphore_mem>>)
    %dma_start3A_113 = arith.constant 0 : i32
    %dma_start3A_114 = arith.constant 4 : i32
    %dma_start3A_115 = arith.constant 0 : i32
    %dma_start3A_116 = arith.constant 0 : i32
    %dma_start3A_117 = arith.constant 0 : i32
    %dma_start3A_118 = tpu.memref_slice %arg6[%dma_start3A_115, %dma_start3A_116, %dma_start3A_117] : memref<2x640x64xf32, #tpu.memory_space<vmem>> -> memref<1x640x64xf32, #tpu.memory_space<vmem>>
    %dma_start3A_119 = tpu.memref_squeeze %dma_start3A_118 : memref<1x640x64xf32, #tpu.memory_space<vmem>> -> memref<640x64xf32, #tpu.memory_space<vmem>>
    %dma_start3A_120 = arith.constant 512 : i32
    %dma_start3A_121 = arith.constant 0 : i32
    %dma_start3A_122 = tpu.memref_slice %dma_start3A_119[%dma_start3A_120, %dma_start3A_121] : memref<640x64xf32, #tpu.memory_space<vmem>> -> memref<128x64xf32, #tpu.memory_space<vmem>>
    %dma_start3A_123 = arith.constant 0 : i32
    %dma_start3A_124 = arith.constant 0 : i32
    %dma_start3A_125 = tpu.memref_slice %arg5[%dma_start3A_113, %dma_start3A_123, %dma_start3A_124] : memref<2x5x128xi32, #tpu.memory_space<vmem>> -> memref<1x5x128xi32, #tpu.memory_space<vmem>>
    %dma_start3A_126 = tpu.memref_squeeze %dma_start3A_125 : memref<1x5x128xi32, #tpu.memory_space<vmem>> -> memref<5x128xi32, #tpu.memory_space<vmem>>
    %dma_start3A_127 = arith.constant 0 : i32
    %dma_start3A_128 = tpu.memref_slice %dma_start3A_126[%dma_start3A_114, %dma_start3A_127] : memref<5x128xi32, #tpu.memory_space<vmem>> -> memref<1x128xi32, #tpu.memory_space<vmem>>
    %dma_start3A_129 = tpu.memref_squeeze %dma_start3A_128 : memref<1x128xi32, #tpu.memory_space<vmem>> -> memref<128xi32, #tpu.memory_space<vmem>>
    %dma_start3A_130 = arith.constant 0 : i32
    %dma_start3A_131 = arith.constant 0 : i32
    %dma_start3A_132 = tpu.memref_slice %arg3[%dma_start3A_130, %dma_start3A_131] : memref<1000000x64xf32, #tpu.memory_space<hbm>> -> memref<1000000x64xf32, #tpu.memory_space<hbm>>
    tpu.enqueue_indirect_dma source(%dma_start3A_132 : memref<1000000x64xf32, #tpu.memory_space<hbm>>) target(%dma_start3A_122 : memref<128x64xf32, #tpu.memory_space<vmem>>) offsets(%dma_start3A_129 : memref<128xi32, #tpu.memory_space<vmem>>) semaphore(%arg11 : memref<!tpu.dma_semaphore, #tpu.memory_space<semaphore_mem>>)
    %add3A_133 = arith.constant 5 : i32
    %add3A_134 = arith.addi %mul3A_2, %add3A_133 : i32
    %dma_start3A_135 = arith.constant 1 : i32
    %dma_start3A_136 = arith.constant 0 : i32
    %dma_start3A_137 = arith.constant 0 : i32
    %dma_start3A_138 = tpu.memref_slice %arg5[%dma_start3A_135, %dma_start3A_136, %dma_start3A_137] : memref<2x5x128xi32, #tpu.memory_space<vmem>> -> memref<1x5x128xi32, #tpu.memory_space<vmem>>
    %dma_start3A_139 = tpu.memref_squeeze %dma_start3A_138 : memref<1x5x128xi32, #tpu.memory_space<vmem>> -> memref<5x128xi32, #tpu.memory_space<vmem>>
    %dma_start3A_140 = arith.constant 0 : i32
    %dma_start3A_141 = tpu.memref_slice %arg2[%add3A_134, %dma_start3A_140] : memref<6400x128xi32, #tpu.memory_space<hbm>> -> memref<5x128xi32, #tpu.memory_space<hbm>>
    %dma_start3A_142 = arith.constant 0 : i32
    %dma_start3A_143 = arith.constant 0 : i32
    %dma_start3A_144 = tpu.memref_slice %arg5[%dma_start3A_135, %dma_start3A_142, %dma_start3A_143] : memref<2x5x128xi32, #tpu.memory_space<vmem>> -> memref<1x5x128xi32, #tpu.memory_space<vmem>>
    %dma_start3A_145 = tpu.memref_squeeze %dma_start3A_144 : memref<1x5x128xi32, #tpu.memory_space<vmem>> -> memref<5x128xi32, #tpu.memory_space<vmem>>
    %dma_start3A_146 = arith.constant 0 : i32
    %dma_start3A_147 = tpu.memref_slice %arg2[%add3A_134, %dma_start3A_146] : memref<6400x128xi32, #tpu.memory_space<hbm>> -> memref<5x128xi32, #tpu.memory_space<hbm>>
    tpu.enqueue_dma source(%dma_start3A_147 : memref<5x128xi32, #tpu.memory_space<hbm>>) target(%dma_start3A_145 : memref<5x128xi32, #tpu.memory_space<vmem>>) target_semaphore(%arg8 : memref<!tpu.dma_semaphore, #tpu.memory_space<semaphore_mem>>)
    %dma_wait3A_148 = arith.constant 0 : i32
    %dma_wait3A_149 = arith.constant 0 : i32
    %dma_wait3A_150 = arith.constant 0 : i32
    %dma_wait3A_151 = arith.constant 0 : i32
    %dma_wait3A_152 = arith.constant 0 : i32
    %dma_wait3A_153 = tpu.memref_slice %arg6[%dma_wait3A_150, %dma_wait3A_151, %dma_wait3A_152] : memref<2x640x64xf32, #tpu.memory_space<vmem>> -> memref<1x640x64xf32, #tpu.memory_space<vmem>>
    %dma_wait3A_154 = tpu.memref_squeeze %dma_wait3A_153 : memref<1x640x64xf32, #tpu.memory_space<vmem>> -> memref<640x64xf32, #tpu.memory_space<vmem>>
    %dma_wait3A_155 = arith.constant 0 : i32
    %dma_wait3A_156 = arith.constant 0 : i32
    %dma_wait3A_157 = tpu.memref_slice %dma_wait3A_154[%dma_wait3A_155, %dma_wait3A_156] : memref<640x64xf32, #tpu.memory_space<vmem>> -> memref<128x64xf32, #tpu.memory_space<vmem>>
    %dma_wait3A_158 = arith.constant 0 : i32
    %dma_wait3A_159 = arith.constant 0 : i32
    %dma_wait3A_160 = tpu.memref_slice %arg5[%dma_wait3A_148, %dma_wait3A_158, %dma_wait3A_159] : memref<2x5x128xi32, #tpu.memory_space<vmem>> -> memref<1x5x128xi32, #tpu.memory_space<vmem>>
    %dma_wait3A_161 = tpu.memref_squeeze %dma_wait3A_160 : memref<1x5x128xi32, #tpu.memory_space<vmem>> -> memref<5x128xi32, #tpu.memory_space<vmem>>
    %dma_wait3A_162 = arith.constant 0 : i32
    %dma_wait3A_163 = tpu.memref_slice %dma_wait3A_161[%dma_wait3A_149, %dma_wait3A_162] : memref<5x128xi32, #tpu.memory_space<vmem>> -> memref<1x128xi32, #tpu.memory_space<vmem>>
    %dma_wait3A_164 = tpu.memref_squeeze %dma_wait3A_163 : memref<1x128xi32, #tpu.memory_space<vmem>> -> memref<128xi32, #tpu.memory_space<vmem>>
    %dma_wait3A_165 = arith.constant 0 : i32
    %dma_wait3A_166 = arith.constant 0 : i32
    %dma_wait3A_167 = tpu.memref_slice %arg3[%dma_wait3A_165, %dma_wait3A_166] : memref<1000000x64xf32, #tpu.memory_space<hbm>> -> memref<1000000x64xf32, #tpu.memory_space<hbm>>
    tpu.wait_indirect_dma semaphore(%arg11 : memref<!tpu.dma_semaphore, #tpu.memory_space<semaphore_mem>>) src(%dma_wait3A_167 : memref<1000000x64xf32, #tpu.memory_space<hbm>>) dst(%dma_wait3A_157 : memref<128x64xf32, #tpu.memory_space<vmem>>)
    %dma_wait3A_168 = arith.constant 0 : i32
    %dma_wait3A_169 = arith.constant 1 : i32
    %dma_wait3A_170 = arith.constant 0 : i32
    %dma_wait3A_171 = arith.constant 0 : i32
    %dma_wait3A_172 = arith.constant 0 : i32
    %dma_wait3A_173 = tpu.memref_slice %arg6[%dma_wait3A_170, %dma_wait3A_171, %dma_wait3A_172] : memref<2x640x64xf32, #tpu.memory_space<vmem>> -> memref<1x640x64xf32, #tpu.memory_space<vmem>>
    %dma_wait3A_174 = tpu.memref_squeeze %dma_wait3A_173 : memref<1x640x64xf32, #tpu.memory_space<vmem>> -> memref<640x64xf32, #tpu.memory_space<vmem>>
    %dma_wait3A_175 = arith.constant 128 : i32
    %dma_wait3A_176 = arith.constant 0 : i32
    %dma_wait3A_177 = tpu.memref_slice %dma_wait3A_174[%dma_wait3A_175, %dma_wait3A_176] : memref<640x64xf32, #tpu.memory_space<vmem>> -> memref<128x64xf32, #tpu.memory_space<vmem>>
    %dma_wait3A_178 = arith.constant 0 : i32
    %dma_wait3A_179 = arith.constant 0 : i32
    %dma_wait3A_180 = tpu.memref_slice %arg5[%dma_wait3A_168, %dma_wait3A_178, %dma_wait3A_179] : memref<2x5x128xi32, #tpu.memory_space<vmem>> -> memref<1x5x128xi32, #tpu.memory_space<vmem>>
    %dma_wait3A_181 = tpu.memref_squeeze %dma_wait3A_180 : memref<1x5x128xi32, #tpu.memory_space<vmem>> -> memref<5x128xi32, #tpu.memory_space<vmem>>
    %dma_wait3A_182 = arith.constant 0 : i32
    %dma_wait3A_183 = tpu.memref_slice %dma_wait3A_181[%dma_wait3A_169, %dma_wait3A_182] : memref<5x128xi32, #tpu.memory_space<vmem>> -> memref<1x128xi32, #tpu.memory_space<vmem>>
    %dma_wait3A_184 = tpu.memref_squeeze %dma_wait3A_183 : memref<1x128xi32, #tpu.memory_space<vmem>> -> memref<128xi32, #tpu.memory_space<vmem>>
    %dma_wait3A_185 = arith.constant 0 : i32
    %dma_wait3A_186 = arith.constant 0 : i32
    %dma_wait3A_187 = tpu.memref_slice %arg3[%dma_wait3A_185, %dma_wait3A_186] : memref<1000000x64xf32, #tpu.memory_space<hbm>> -> memref<1000000x64xf32, #tpu.memory_space<hbm>>
    tpu.wait_indirect_dma semaphore(%arg11 : memref<!tpu.dma_semaphore, #tpu.memory_space<semaphore_mem>>) src(%dma_wait3A_187 : memref<1000000x64xf32, #tpu.memory_space<hbm>>) dst(%dma_wait3A_177 : memref<128x64xf32, #tpu.memory_space<vmem>>)
    %dma_wait3A_188 = arith.constant 0 : i32
    %dma_wait3A_189 = arith.constant 2 : i32
    %dma_wait3A_190 = arith.constant 0 : i32
    %dma_wait3A_191 = arith.constant 0 : i32
    %dma_wait3A_192 = arith.constant 0 : i32
    %dma_wait3A_193 = tpu.memref_slice %arg6[%dma_wait3A_190, %dma_wait3A_191, %dma_wait3A_192] : memref<2x640x64xf32, #tpu.memory_space<vmem>> -> memref<1x640x64xf32, #tpu.memory_space<vmem>>
    %dma_wait3A_194 = tpu.memref_squeeze %dma_wait3A_193 : memref<1x640x64xf32, #tpu.memory_space<vmem>> -> memref<640x64xf32, #tpu.memory_space<vmem>>
    %dma_wait3A_195 = arith.constant 256 : i32
    %dma_wait3A_196 = arith.constant 0 : i32
    %dma_wait3A_197 = tpu.memref_slice %dma_wait3A_194[%dma_wait3A_195, %dma_wait3A_196] : memref<640x64xf32, #tpu.memory_space<vmem>> -> memref<128x64xf32, #tpu.memory_space<vmem>>
    %dma_wait3A_198 = arith.constant 0 : i32
    %dma_wait3A_199 = arith.constant 0 : i32
    %dma_wait3A_200 = tpu.memref_slice %arg5[%dma_wait3A_188, %dma_wait3A_198, %dma_wait3A_199] : memref<2x5x128xi32, #tpu.memory_space<vmem>> -> memref<1x5x128xi32, #tpu.memory_space<vmem>>
    %dma_wait3A_201 = tpu.memref_squeeze %dma_wait3A_200 : memref<1x5x128xi32, #tpu.memory_space<vmem>> -> memref<5x128xi32, #tpu.memory_space<vmem>>
    %dma_wait3A_202 = arith.constant 0 : i32
    %dma_wait3A_203 = tpu.memref_slice %dma_wait3A_201[%dma_wait3A_189, %dma_wait3A_202] : memref<5x128xi32, #tpu.memory_space<vmem>> -> memref<1x128xi32, #tpu.memory_space<vmem>>
    %dma_wait3A_204 = tpu.memref_squeeze %dma_wait3A_203 : memref<1x128xi32, #tpu.memory_space<vmem>> -> memref<128xi32, #tpu.memory_space<vmem>>
    %dma_wait3A_205 = arith.constant 0 : i32
    %dma_wait3A_206 = arith.constant 0 : i32
    %dma_wait3A_207 = tpu.memref_slice %arg3[%dma_wait3A_205, %dma_wait3A_206] : memref<1000000x64xf32, #tpu.memory_space<hbm>> -> memref<1000000x64xf32, #tpu.memory_space<hbm>>
    tpu.wait_indirect_dma semaphore(%arg11 : memref<!tpu.dma_semaphore, #tpu.memory_space<semaphore_mem>>) src(%dma_wait3A_207 : memref<1000000x64xf32, #tpu.memory_space<hbm>>) dst(%dma_wait3A_197 : memref<128x64xf32, #tpu.memory_space<vmem>>)
    %dma_wait3A_208 = arith.constant 0 : i32
    %dma_wait3A_209 = arith.constant 3 : i32
    %dma_wait3A_210 = arith.constant 0 : i32
    %dma_wait3A_211 = arith.constant 0 : i32
    %dma_wait3A_212 = arith.constant 0 : i32
    %dma_wait3A_213 = tpu.memref_slice %arg6[%dma_wait3A_210, %dma_wait3A_211, %dma_wait3A_212] : memref<2x640x64xf32, #tpu.memory_space<vmem>> -> memref<1x640x64xf32, #tpu.memory_space<vmem>>
    %dma_wait3A_214 = tpu.memref_squeeze %dma_wait3A_213 : memref<1x640x64xf32, #tpu.memory_space<vmem>> -> memref<640x64xf32, #tpu.memory_space<vmem>>
    %dma_wait3A_215 = arith.constant 384 : i32
    %dma_wait3A_216 = arith.constant 0 : i32
    %dma_wait3A_217 = tpu.memref_slice %dma_wait3A_214[%dma_wait3A_215, %dma_wait3A_216] : memref<640x64xf32, #tpu.memory_space<vmem>> -> memref<128x64xf32, #tpu.memory_space<vmem>>
    %dma_wait3A_218 = arith.constant 0 : i32
    %dma_wait3A_219 = arith.constant 0 : i32
    %dma_wait3A_220 = tpu.memref_slice %arg5[%dma_wait3A_208, %dma_wait3A_218, %dma_wait3A_219] : memref<2x5x128xi32, #tpu.memory_space<vmem>> -> memref<1x5x128xi32, #tpu.memory_space<vmem>>
    %dma_wait3A_221 = tpu.memref_squeeze %dma_wait3A_220 : memref<1x5x128xi32, #tpu.memory_space<vmem>> -> memref<5x128xi32, #tpu.memory_space<vmem>>
    %dma_wait3A_222 = arith.constant 0 : i32
    %dma_wait3A_223 = tpu.memref_slice %dma_wait3A_221[%dma_wait3A_209, %dma_wait3A_222] : memref<5x128xi32, #tpu.memory_space<vmem>> -> memref<1x128xi32, #tpu.memory_space<vmem>>
    %dma_wait3A_224 = tpu.memref_squeeze %dma_wait3A_223 : memref<1x128xi32, #tpu.memory_space<vmem>> -> memref<128xi32, #tpu.memory_space<vmem>>
    %dma_wait3A_225 = arith.constant 0 : i32
    %dma_wait3A_226 = arith.constant 0 : i32
    %dma_wait3A_227 = tpu.memref_slice %arg3[%dma_wait3A_225, %dma_wait3A_226] : memref<1000000x64xf32, #tpu.memory_space<hbm>> -> memref<1000000x64xf32, #tpu.memory_space<hbm>>
    tpu.wait_indirect_dma semaphore(%arg11 : memref<!tpu.dma_semaphore, #tpu.memory_space<semaphore_mem>>) src(%dma_wait3A_227 : memref<1000000x64xf32, #tpu.memory_space<hbm>>) dst(%dma_wait3A_217 : memref<128x64xf32, #tpu.memory_space<vmem>>)
    %dma_wait3A_228 = arith.constant 0 : i32
    %dma_wait3A_229 = arith.constant 4 : i32
    %dma_wait3A_230 = arith.constant 0 : i32
    %dma_wait3A_231 = arith.constant 0 : i32
    %dma_wait3A_232 = arith.constant 0 : i32
    %dma_wait3A_233 = tpu.memref_slice %arg6[%dma_wait3A_230, %dma_wait3A_231, %dma_wait3A_232] : memref<2x640x64xf32, #tpu.memory_space<vmem>> -> memref<1x640x64xf32, #tpu.memory_space<vmem>>
    %dma_wait3A_234 = tpu.memref_squeeze %dma_wait3A_233 : memref<1x640x64xf32, #tpu.memory_space<vmem>> -> memref<640x64xf32, #tpu.memory_space<vmem>>
    %dma_wait3A_235 = arith.constant 512 : i32
    %dma_wait3A_236 = arith.constant 0 : i32
    %dma_wait3A_237 = tpu.memref_slice %dma_wait3A_234[%dma_wait3A_235, %dma_wait3A_236] : memref<640x64xf32, #tpu.memory_space<vmem>> -> memref<128x64xf32, #tpu.memory_space<vmem>>
    %dma_wait3A_238 = arith.constant 0 : i32
    %dma_wait3A_239 = arith.constant 0 : i32
    %dma_wait3A_240 = tpu.memref_slice %arg5[%dma_wait3A_228, %dma_wait3A_238, %dma_wait3A_239] : memref<2x5x128xi32, #tpu.memory_space<vmem>> -> memref<1x5x128xi32, #tpu.memory_space<vmem>>
    %dma_wait3A_241 = tpu.memref_squeeze %dma_wait3A_240 : memref<1x5x128xi32, #tpu.memory_space<vmem>> -> memref<5x128xi32, #tpu.memory_space<vmem>>
    %dma_wait3A_242 = arith.constant 0 : i32
    %dma_wait3A_243 = tpu.memref_slice %dma_wait3A_241[%dma_wait3A_229, %dma_wait3A_242] : memref<5x128xi32, #tpu.memory_space<vmem>> -> memref<1x128xi32, #tpu.memory_space<vmem>>
    %dma_wait3A_244 = tpu.memref_squeeze %dma_wait3A_243 : memref<1x128xi32, #tpu.memory_space<vmem>> -> memref<128xi32, #tpu.memory_space<vmem>>
    %dma_wait3A_245 = arith.constant 0 : i32
    %dma_wait3A_246 = arith.constant 0 : i32
    %dma_wait3A_247 = tpu.memref_slice %arg3[%dma_wait3A_245, %dma_wait3A_246] : memref<1000000x64xf32, #tpu.memory_space<hbm>> -> memref<1000000x64xf32, #tpu.memory_space<hbm>>
    tpu.wait_indirect_dma semaphore(%arg11 : memref<!tpu.dma_semaphore, #tpu.memory_space<semaphore_mem>>) src(%dma_wait3A_247 : memref<1000000x64xf32, #tpu.memory_space<hbm>>) dst(%dma_wait3A_237 : memref<128x64xf32, #tpu.memory_space<vmem>>)
    %add3A_248 = arith.constant 0 : i32
    %add3A_249 = arith.addi %mul3A_6, %add3A_248 : i32
    %dma_start3A_250 = arith.constant 0 : i32
    %dma_start3A_251 = arith.constant 0 : i32
    %dma_start3A_252 = arith.constant 0 : i32
    %dma_start3A_253 = tpu.memref_slice %arg6[%dma_start3A_250, %dma_start3A_251, %dma_start3A_252] : memref<2x640x64xf32, #tpu.memory_space<vmem>> -> memref<1x640x64xf32, #tpu.memory_space<vmem>>
    %dma_start3A_254 = tpu.memref_squeeze %dma_start3A_253 : memref<1x640x64xf32, #tpu.memory_space<vmem>> -> memref<640x64xf32, #tpu.memory_space<vmem>>
    %dma_start3A_255 = arith.constant 0 : i32
    %dma_start3A_256 = tpu.memref_slice %arg4[%add3A_249, %dma_start3A_255] : memref<819200x64xf32, #tpu.memory_space<hbm>> -> memref<640x64xf32, #tpu.memory_space<hbm>>
    %dma_start3A_257 = arith.constant 0 : i32
    %dma_start3A_258 = tpu.memref_slice %arg4[%add3A_249, %dma_start3A_257] : memref<819200x64xf32, #tpu.memory_space<hbm>> -> memref<640x64xf32, #tpu.memory_space<hbm>>
    %dma_start3A_259 = arith.constant 0 : i32
    %dma_start3A_260 = arith.constant 0 : i32
    %dma_start3A_261 = tpu.memref_slice %arg6[%dma_start3A_250, %dma_start3A_259, %dma_start3A_260] : memref<2x640x64xf32, #tpu.memory_space<vmem>> -> memref<1x640x64xf32, #tpu.memory_space<vmem>>
    %dma_start3A_262 = tpu.memref_squeeze %dma_start3A_261 : memref<1x640x64xf32, #tpu.memory_space<vmem>> -> memref<640x64xf32, #tpu.memory_space<vmem>>
    tpu.enqueue_dma source(%dma_start3A_262 : memref<640x64xf32, #tpu.memory_space<vmem>>) target(%dma_start3A_258 : memref<640x64xf32, #tpu.memory_space<hbm>>) target_semaphore(%arg9 : memref<!tpu.dma_semaphore, #tpu.memory_space<semaphore_mem>>)
    %dma_wait3A_263 = arith.constant 1 : i32
    %dma_wait3A_264 = arith.constant 0 : i32
    %dma_wait3A_265 = arith.constant 0 : i32
    %dma_wait3A_266 = tpu.memref_slice %arg5[%dma_wait3A_263, %dma_wait3A_264, %dma_wait3A_265] : memref<2x5x128xi32, #tpu.memory_space<vmem>> -> memref<1x5x128xi32, #tpu.memory_space<vmem>>
    %dma_wait3A_267 = tpu.memref_squeeze %dma_wait3A_266 : memref<1x5x128xi32, #tpu.memory_space<vmem>> -> memref<5x128xi32, #tpu.memory_space<vmem>>
    %dma_wait3A_268 = arith.constant 0 : i32
    %dma_wait3A_269 = tpu.memref_slice %arg2[%mul3A_2, %dma_wait3A_268] : memref<6400x128xi32, #tpu.memory_space<hbm>> -> memref<5x128xi32, #tpu.memory_space<hbm>>
    %dma_wait3A_270 = arith.constant 0 : i32
    %dma_wait3A_271 = arith.constant 0 : i32
    %dma_wait3A_272 = tpu.memref_slice %arg5[%dma_wait3A_263, %dma_wait3A_270, %dma_wait3A_271] : memref<2x5x128xi32, #tpu.memory_space<vmem>> -> memref<1x5x128xi32, #tpu.memory_space<vmem>>
    %dma_wait3A_273 = tpu.memref_squeeze %dma_wait3A_272 : memref<1x5x128xi32, #tpu.memory_space<vmem>> -> memref<5x128xi32, #tpu.memory_space<vmem>>
    %dma_wait3A_274 = arith.constant 0 : i32
    %dma_wait3A_275 = tpu.memref_slice %arg2[%mul3A_2, %dma_wait3A_274] : memref<6400x128xi32, #tpu.memory_space<hbm>> -> memref<5x128xi32, #tpu.memory_space<hbm>>
    tpu.wait_dma2 semaphore(%arg8 : memref<!tpu.dma_semaphore, #tpu.memory_space<semaphore_mem>>) src(%dma_wait3A_275 : memref<5x128xi32, #tpu.memory_space<hbm>>) dst(%dma_wait3A_273 : memref<5x128xi32, #tpu.memory_space<vmem>>)
    %dma_start3A_276 = arith.constant 1 : i32
    %dma_start3A_277 = arith.constant 0 : i32
    %dma_start3A_278 = arith.constant 1 : i32
    %dma_start3A_279 = arith.constant 0 : i32
    %dma_start3A_280 = arith.constant 0 : i32
    %dma_start3A_281 = tpu.memref_slice %arg6[%dma_start3A_278, %dma_start3A_279, %dma_start3A_280] : memref<2x640x64xf32, #tpu.memory_space<vmem>> -> memref<1x640x64xf32, #tpu.memory_space<vmem>>
    %dma_start3A_282 = tpu.memref_squeeze %dma_start3A_281 : memref<1x640x64xf32, #tpu.memory_space<vmem>> -> memref<640x64xf32, #tpu.memory_space<vmem>>
    %dma_start3A_283 = arith.constant 0 : i32
    %dma_start3A_284 = arith.constant 0 : i32
    %dma_start3A_285 = tpu.memref_slice %dma_start3A_282[%dma_start3A_283, %dma_start3A_284] : memref<640x64xf32, #tpu.memory_space<vmem>> -> memref<128x64xf32, #tpu.memory_space<vmem>>
    %dma_start3A_286 = arith.constant 0 : i32
    %dma_start3A_287 = arith.constant 0 : i32
    %dma_start3A_288 = tpu.memref_slice %arg5[%dma_start3A_276, %dma_start3A_286, %dma_start3A_287] : memref<2x5x128xi32, #tpu.memory_space<vmem>> -> memref<1x5x128xi32, #tpu.memory_space<vmem>>
    %dma_start3A_289 = tpu.memref_squeeze %dma_start3A_288 : memref<1x5x128xi32, #tpu.memory_space<vmem>> -> memref<5x128xi32, #tpu.memory_space<vmem>>
    %dma_start3A_290 = arith.constant 0 : i32
    %dma_start3A_291 = tpu.memref_slice %dma_start3A_289[%dma_start3A_277, %dma_start3A_290] : memref<5x128xi32, #tpu.memory_space<vmem>> -> memref<1x128xi32, #tpu.memory_space<vmem>>
    %dma_start3A_292 = tpu.memref_squeeze %dma_start3A_291 : memref<1x128xi32, #tpu.memory_space<vmem>> -> memref<128xi32, #tpu.memory_space<vmem>>
    %dma_start3A_293 = arith.constant 0 : i32
    %dma_start3A_294 = arith.constant 0 : i32
    %dma_start3A_295 = tpu.memref_slice %arg3[%dma_start3A_293, %dma_start3A_294] : memref<1000000x64xf32, #tpu.memory_space<hbm>> -> memref<1000000x64xf32, #tpu.memory_space<hbm>>
    tpu.enqueue_indirect_dma source(%dma_start3A_295 : memref<1000000x64xf32, #tpu.memory_space<hbm>>) target(%dma_start3A_285 : memref<128x64xf32, #tpu.memory_space<vmem>>) offsets(%dma_start3A_292 : memref<128xi32, #tpu.memory_space<vmem>>) semaphore(%arg11 : memref<!tpu.dma_semaphore, #tpu.memory_space<semaphore_mem>>)
    %dma_start3A_296 = arith.constant 1 : i32
    %dma_start3A_297 = arith.constant 1 : i32
    %dma_start3A_298 = arith.constant 1 : i32
    %dma_start3A_299 = arith.constant 0 : i32
    %dma_start3A_300 = arith.constant 0 : i32
    %dma_start3A_301 = tpu.memref_slice %arg6[%dma_start3A_298, %dma_start3A_299, %dma_start3A_300] : memref<2x640x64xf32, #tpu.memory_space<vmem>> -> memref<1x640x64xf32, #tpu.memory_space<vmem>>
    %dma_start3A_302 = tpu.memref_squeeze %dma_start3A_301 : memref<1x640x64xf32, #tpu.memory_space<vmem>> -> memref<640x64xf32, #tpu.memory_space<vmem>>
    %dma_start3A_303 = arith.constant 128 : i32
    %dma_start3A_304 = arith.constant 0 : i32
    %dma_start3A_305 = tpu.memref_slice %dma_start3A_302[%dma_start3A_303, %dma_start3A_304] : memref<640x64xf32, #tpu.memory_space<vmem>> -> memref<128x64xf32, #tpu.memory_space<vmem>>
    %dma_start3A_306 = arith.constant 0 : i32
    %dma_start3A_307 = arith.constant 0 : i32
    %dma_start3A_308 = tpu.memref_slice %arg5[%dma_start3A_296, %dma_start3A_306, %dma_start3A_307] : memref<2x5x128xi32, #tpu.memory_space<vmem>> -> memref<1x5x128xi32, #tpu.memory_space<vmem>>
    %dma_start3A_309 = tpu.memref_squeeze %dma_start3A_308 : memref<1x5x128xi32, #tpu.memory_space<vmem>> -> memref<5x128xi32, #tpu.memory_space<vmem>>
    %dma_start3A_310 = arith.constant 0 : i32
    %dma_start3A_311 = tpu.memref_slice %dma_start3A_309[%dma_start3A_297, %dma_start3A_310] : memref<5x128xi32, #tpu.memory_space<vmem>> -> memref<1x128xi32, #tpu.memory_space<vmem>>
    %dma_start3A_312 = tpu.memref_squeeze %dma_start3A_311 : memref<1x128xi32, #tpu.memory_space<vmem>> -> memref<128xi32, #tpu.memory_space<vmem>>
    %dma_start3A_313 = arith.constant 0 : i32
    %dma_start3A_314 = arith.constant 0 : i32
    %dma_start3A_315 = tpu.memref_slice %arg3[%dma_start3A_313, %dma_start3A_314] : memref<1000000x64xf32, #tpu.memory_space<hbm>> -> memref<1000000x64xf32, #tpu.memory_space<hbm>>
    tpu.enqueue_indirect_dma source(%dma_start3A_315 : memref<1000000x64xf32, #tpu.memory_space<hbm>>) target(%dma_start3A_305 : memref<128x64xf32, #tpu.memory_space<vmem>>) offsets(%dma_start3A_312 : memref<128xi32, #tpu.memory_space<vmem>>) semaphore(%arg11 : memref<!tpu.dma_semaphore, #tpu.memory_space<semaphore_mem>>)
    %dma_start3A_316 = arith.constant 1 : i32
    %dma_start3A_317 = arith.constant 2 : i32
    %dma_start3A_318 = arith.constant 1 : i32
    %dma_start3A_319 = arith.constant 0 : i32
    %dma_start3A_320 = arith.constant 0 : i32
    %dma_start3A_321 = tpu.memref_slice %arg6[%dma_start3A_318, %dma_start3A_319, %dma_start3A_320] : memref<2x640x64xf32, #tpu.memory_space<vmem>> -> memref<1x640x64xf32, #tpu.memory_space<vmem>>
    %dma_start3A_322 = tpu.memref_squeeze %dma_start3A_321 : memref<1x640x64xf32, #tpu.memory_space<vmem>> -> memref<640x64xf32, #tpu.memory_space<vmem>>
    %dma_start3A_323 = arith.constant 256 : i32
    %dma_start3A_324 = arith.constant 0 : i32
    %dma_start3A_325 = tpu.memref_slice %dma_start3A_322[%dma_start3A_323, %dma_start3A_324] : memref<640x64xf32, #tpu.memory_space<vmem>> -> memref<128x64xf32, #tpu.memory_space<vmem>>
    %dma_start3A_326 = arith.constant 0 : i32
    %dma_start3A_327 = arith.constant 0 : i32
    %dma_start3A_328 = tpu.memref_slice %arg5[%dma_start3A_316, %dma_start3A_326, %dma_start3A_327] : memref<2x5x128xi32, #tpu.memory_space<vmem>> -> memref<1x5x128xi32, #tpu.memory_space<vmem>>
    %dma_start3A_329 = tpu.memref_squeeze %dma_start3A_328 : memref<1x5x128xi32, #tpu.memory_space<vmem>> -> memref<5x128xi32, #tpu.memory_space<vmem>>
    %dma_start3A_330 = arith.constant 0 : i32
    %dma_start3A_331 = tpu.memref_slice %dma_start3A_329[%dma_start3A_317, %dma_start3A_330] : memref<5x128xi32, #tpu.memory_space<vmem>> -> memref<1x128xi32, #tpu.memory_space<vmem>>
    %dma_start3A_332 = tpu.memref_squeeze %dma_start3A_331 : memref<1x128xi32, #tpu.memory_space<vmem>> -> memref<128xi32, #tpu.memory_space<vmem>>
    %dma_start3A_333 = arith.constant 0 : i32
    %dma_start3A_334 = arith.constant 0 : i32
    %dma_start3A_335 = tpu.memref_slice %arg3[%dma_start3A_333, %dma_start3A_334] : memref<1000000x64xf32, #tpu.memory_space<hbm>> -> memref<1000000x64xf32, #tpu.memory_space<hbm>>
    tpu.enqueue_indirect_dma source(%dma_start3A_335 : memref<1000000x64xf32, #tpu.memory_space<hbm>>) target(%dma_start3A_325 : memref<128x64xf32, #tpu.memory_space<vmem>>) offsets(%dma_start3A_332 : memref<128xi32, #tpu.memory_space<vmem>>) semaphore(%arg11 : memref<!tpu.dma_semaphore, #tpu.memory_space<semaphore_mem>>)
    %dma_start3A_336 = arith.constant 1 : i32
    %dma_start3A_337 = arith.constant 3 : i32
    %dma_start3A_338 = arith.constant 1 : i32
    %dma_start3A_339 = arith.constant 0 : i32
    %dma_start3A_340 = arith.constant 0 : i32
    %dma_start3A_341 = tpu.memref_slice %arg6[%dma_start3A_338, %dma_start3A_339, %dma_start3A_340] : memref<2x640x64xf32, #tpu.memory_space<vmem>> -> memref<1x640x64xf32, #tpu.memory_space<vmem>>
    %dma_start3A_342 = tpu.memref_squeeze %dma_start3A_341 : memref<1x640x64xf32, #tpu.memory_space<vmem>> -> memref<640x64xf32, #tpu.memory_space<vmem>>
    %dma_start3A_343 = arith.constant 384 : i32
    %dma_start3A_344 = arith.constant 0 : i32
    %dma_start3A_345 = tpu.memref_slice %dma_start3A_342[%dma_start3A_343, %dma_start3A_344] : memref<640x64xf32, #tpu.memory_space<vmem>> -> memref<128x64xf32, #tpu.memory_space<vmem>>
    %dma_start3A_346 = arith.constant 0 : i32
    %dma_start3A_347 = arith.constant 0 : i32
    %dma_start3A_348 = tpu.memref_slice %arg5[%dma_start3A_336, %dma_start3A_346, %dma_start3A_347] : memref<2x5x128xi32, #tpu.memory_space<vmem>> -> memref<1x5x128xi32, #tpu.memory_space<vmem>>
    %dma_start3A_349 = tpu.memref_squeeze %dma_start3A_348 : memref<1x5x128xi32, #tpu.memory_space<vmem>> -> memref<5x128xi32, #tpu.memory_space<vmem>>
    %dma_start3A_350 = arith.constant 0 : i32
    %dma_start3A_351 = tpu.memref_slice %dma_start3A_349[%dma_start3A_337, %dma_start3A_350] : memref<5x128xi32, #tpu.memory_space<vmem>> -> memref<1x128xi32, #tpu.memory_space<vmem>>
    %dma_start3A_352 = tpu.memref_squeeze %dma_start3A_351 : memref<1x128xi32, #tpu.memory_space<vmem>> -> memref<128xi32, #tpu.memory_space<vmem>>
    %dma_start3A_353 = arith.constant 0 : i32
    %dma_start3A_354 = arith.constant 0 : i32
    %dma_start3A_355 = tpu.memref_slice %arg3[%dma_start3A_353, %dma_start3A_354] : memref<1000000x64xf32, #tpu.memory_space<hbm>> -> memref<1000000x64xf32, #tpu.memory_space<hbm>>
    tpu.enqueue_indirect_dma source(%dma_start3A_355 : memref<1000000x64xf32, #tpu.memory_space<hbm>>) target(%dma_start3A_345 : memref<128x64xf32, #tpu.memory_space<vmem>>) offsets(%dma_start3A_352 : memref<128xi32, #tpu.memory_space<vmem>>) semaphore(%arg11 : memref<!tpu.dma_semaphore, #tpu.memory_space<semaphore_mem>>)
    %dma_start3A_356 = arith.constant 1 : i32
    %dma_start3A_357 = arith.constant 4 : i32
    %dma_start3A_358 = arith.constant 1 : i32
    %dma_start3A_359 = arith.constant 0 : i32
    %dma_start3A_360 = arith.constant 0 : i32
    %dma_start3A_361 = tpu.memref_slice %arg6[%dma_start3A_358, %dma_start3A_359, %dma_start3A_360] : memref<2x640x64xf32, #tpu.memory_space<vmem>> -> memref<1x640x64xf32, #tpu.memory_space<vmem>>
    %dma_start3A_362 = tpu.memref_squeeze %dma_start3A_361 : memref<1x640x64xf32, #tpu.memory_space<vmem>> -> memref<640x64xf32, #tpu.memory_space<vmem>>
    %dma_start3A_363 = arith.constant 512 : i32
    %dma_start3A_364 = arith.constant 0 : i32
    %dma_start3A_365 = tpu.memref_slice %dma_start3A_362[%dma_start3A_363, %dma_start3A_364] : memref<640x64xf32, #tpu.memory_space<vmem>> -> memref<128x64xf32, #tpu.memory_space<vmem>>
    %dma_start3A_366 = arith.constant 0 : i32
    %dma_start3A_367 = arith.constant 0 : i32
    %dma_start3A_368 = tpu.memref_slice %arg5[%dma_start3A_356, %dma_start3A_366, %dma_start3A_367] : memref<2x5x128xi32, #tpu.memory_space<vmem>> -> memref<1x5x128xi32, #tpu.memory_space<vmem>>
    %dma_start3A_369 = tpu.memref_squeeze %dma_start3A_368 : memref<1x5x128xi32, #tpu.memory_space<vmem>> -> memref<5x128xi32, #tpu.memory_space<vmem>>
    %dma_start3A_370 = arith.constant 0 : i32
    %dma_start3A_371 = tpu.memref_slice %dma_start3A_369[%dma_start3A_357, %dma_start3A_370] : memref<5x128xi32, #tpu.memory_space<vmem>> -> memref<1x128xi32, #tpu.memory_space<vmem>>
    %dma_start3A_372 = tpu.memref_squeeze %dma_start3A_371 : memref<1x128xi32, #tpu.memory_space<vmem>> -> memref<128xi32, #tpu.memory_space<vmem>>
    %dma_start3A_373 = arith.constant 0 : i32
    %dma_start3A_374 = arith.constant 0 : i32
    %dma_start3A_375 = tpu.memref_slice %arg3[%dma_start3A_373, %dma_start3A_374] : memref<1000000x64xf32, #tpu.memory_space<hbm>> -> memref<1000000x64xf32, #tpu.memory_space<hbm>>
    tpu.enqueue_indirect_dma source(%dma_start3A_375 : memref<1000000x64xf32, #tpu.memory_space<hbm>>) target(%dma_start3A_365 : memref<128x64xf32, #tpu.memory_space<vmem>>) offsets(%dma_start3A_372 : memref<128xi32, #tpu.memory_space<vmem>>) semaphore(%arg11 : memref<!tpu.dma_semaphore, #tpu.memory_space<semaphore_mem>>)
    %add3A_376 = arith.constant 10 : i32
    %add3A_377 = arith.addi %mul3A_2, %add3A_376 : i32
    %dma_start3A_378 = arith.constant 0 : i32
    %dma_start3A_379 = arith.constant 0 : i32
    %dma_start3A_380 = arith.constant 0 : i32
    %dma_start3A_381 = tpu.memref_slice %arg5[%dma_start3A_378, %dma_start3A_379, %dma_start3A_380] : memref<2x5x128xi32, #tpu.memory_space<vmem>> -> memref<1x5x128xi32, #tpu.memory_space<vmem>>
    %dma_start3A_382 = tpu.memref_squeeze %dma_start3A_381 : memref<1x5x128xi32, #tpu.memory_space<vmem>> -> memref<5x128xi32, #tpu.memory_space<vmem>>
    %dma_start3A_383 = arith.constant 0 : i32
    %dma_start3A_384 = tpu.memref_slice %arg2[%add3A_377, %dma_start3A_383] : memref<6400x128xi32, #tpu.memory_space<hbm>> -> memref<5x128xi32, #tpu.memory_space<hbm>>
    %dma_start3A_385 = arith.constant 0 : i32
    %dma_start3A_386 = arith.constant 0 : i32
    %dma_start3A_387 = tpu.memref_slice %arg5[%dma_start3A_378, %dma_start3A_385, %dma_start3A_386] : memref<2x5x128xi32, #tpu.memory_space<vmem>> -> memref<1x5x128xi32, #tpu.memory_space<vmem>>
    %dma_start3A_388 = tpu.memref_squeeze %dma_start3A_387 : memref<1x5x128xi32, #tpu.memory_space<vmem>> -> memref<5x128xi32, #tpu.memory_space<vmem>>
    %dma_start3A_389 = arith.constant 0 : i32
    %dma_start3A_390 = tpu.memref_slice %arg2[%add3A_377, %dma_start3A_389] : memref<6400x128xi32, #tpu.memory_space<hbm>> -> memref<5x128xi32, #tpu.memory_space<hbm>>
    tpu.enqueue_dma source(%dma_start3A_390 : memref<5x128xi32, #tpu.memory_space<hbm>>) target(%dma_start3A_388 : memref<5x128xi32, #tpu.memory_space<vmem>>) target_semaphore(%arg7 : memref<!tpu.dma_semaphore, #tpu.memory_space<semaphore_mem>>)
    %dma_wait3A_391 = arith.constant 1 : i32
    %dma_wait3A_392 = arith.constant 0 : i32
    %dma_wait3A_393 = arith.constant 1 : i32
    %dma_wait3A_394 = arith.constant 0 : i32
    %dma_wait3A_395 = arith.constant 0 : i32
    %dma_wait3A_396 = tpu.memref_slice %arg6[%dma_wait3A_393, %dma_wait3A_394, %dma_wait3A_395] : memref<2x640x64xf32, #tpu.memory_space<vmem>> -> memref<1x640x64xf32, #tpu.memory_space<vmem>>
    %dma_wait3A_397 = tpu.memref_squeeze %dma_wait3A_396 : memref<1x640x64xf32, #tpu.memory_space<vmem>> -> memref<640x64xf32, #tpu.memory_space<vmem>>
    %dma_wait3A_398 = arith.constant 0 : i32
    %dma_wait3A_399 = arith.constant 0 : i32
    %dma_wait3A_400 = tpu.memref_slice %dma_wait3A_397[%dma_wait3A_398, %dma_wait3A_399] : memref<640x64xf32, #tpu.memory_space<vmem>> -> memref<128x64xf32, #tpu.memory_space<vmem>>
    %dma_wait3A_401 = arith.constant 0 : i32
    %dma_wait3A_402 = arith.constant 0 : i32
    %dma_wait3A_403 = tpu.memref_slice %arg5[%dma_wait3A_391, %dma_wait3A_401, %dma_wait3A_402] : memref<2x5x128xi32, #tpu.memory_space<vmem>> -> memref<1x5x128xi32, #tpu.memory_space<vmem>>
    %dma_wait3A_404 = tpu.memref_squeeze %dma_wait3A_403 : memref<1x5x128xi32, #tpu.memory_space<vmem>> -> memref<5x128xi32, #tpu.memory_space<vmem>>
    %dma_wait3A_405 = arith.constant 0 : i32
    %dma_wait3A_406 = tpu.memref_slice %dma_wait3A_404[%dma_wait3A_392, %dma_wait3A_405] : memref<5x128xi32, #tpu.memory_space<vmem>> -> memref<1x128xi32, #tpu.memory_space<vmem>>
    %dma_wait3A_407 = tpu.memref_squeeze %dma_wait3A_406 : memref<1x128xi32, #tpu.memory_space<vmem>> -> memref<128xi32, #tpu.memory_space<vmem>>
    %dma_wait3A_408 = arith.constant 0 : i32
    %dma_wait3A_409 = arith.constant 0 : i32
    %dma_wait3A_410 = tpu.memref_slice %arg3[%dma_wait3A_408, %dma_wait3A_409] : memref<1000000x64xf32, #tpu.memory_space<hbm>> -> memref<1000000x64xf32, #tpu.memory_space<hbm>>
    tpu.wait_indirect_dma semaphore(%arg11 : memref<!tpu.dma_semaphore, #tpu.memory_space<semaphore_mem>>) src(%dma_wait3A_410 : memref<1000000x64xf32, #tpu.memory_space<hbm>>) dst(%dma_wait3A_400 : memref<128x64xf32, #tpu.memory_space<vmem>>)
    %dma_wait3A_411 = arith.constant 1 : i32
    %dma_wait3A_412 = arith.constant 1 : i32
    %dma_wait3A_413 = arith.constant 1 : i32
    %dma_wait3A_414 = arith.constant 0 : i32
    %dma_wait3A_415 = arith.constant 0 : i32
    %dma_wait3A_416 = tpu.memref_slice %arg6[%dma_wait3A_413, %dma_wait3A_414, %dma_wait3A_415] : memref<2x640x64xf32, #tpu.memory_space<vmem>> -> memref<1x640x64xf32, #tpu.memory_space<vmem>>
    %dma_wait3A_417 = tpu.memref_squeeze %dma_wait3A_416 : memref<1x640x64xf32, #tpu.memory_space<vmem>> -> memref<640x64xf32, #tpu.memory_space<vmem>>
    %dma_wait3A_418 = arith.constant 128 : i32
    %dma_wait3A_419 = arith.constant 0 : i32
    %dma_wait3A_420 = tpu.memref_slice %dma_wait3A_417[%dma_wait3A_418, %dma_wait3A_419] : memref<640x64xf32, #tpu.memory_space<vmem>> -> memref<128x64xf32, #tpu.memory_space<vmem>>
    %dma_wait3A_421 = arith.constant 0 : i32
    %dma_wait3A_422 = arith.constant 0 : i32
    %dma_wait3A_423 = tpu.memref_slice %arg5[%dma_wait3A_411, %dma_wait3A_421, %dma_wait3A_422] : memref<2x5x128xi32, #tpu.memory_space<vmem>> -> memref<1x5x128xi32, #tpu.memory_space<vmem>>
    %dma_wait3A_424 = tpu.memref_squeeze %dma_wait3A_423 : memref<1x5x128xi32, #tpu.memory_space<vmem>> -> memref<5x128xi32, #tpu.memory_space<vmem>>
    %dma_wait3A_425 = arith.constant 0 : i32
    %dma_wait3A_426 = tpu.memref_slice %dma_wait3A_424[%dma_wait3A_412, %dma_wait3A_425] : memref<5x128xi32, #tpu.memory_space<vmem>> -> memref<1x128xi32, #tpu.memory_space<vmem>>
    %dma_wait3A_427 = tpu.memref_squeeze %dma_wait3A_426 : memref<1x128xi32, #tpu.memory_space<vmem>> -> memref<128xi32, #tpu.memory_space<vmem>>
    %dma_wait3A_428 = arith.constant 0 : i32
    %dma_wait3A_429 = arith.constant 0 : i32
    %dma_wait3A_430 = tpu.memref_slice %arg3[%dma_wait3A_428, %dma_wait3A_429] : memref<1000000x64xf32, #tpu.memory_space<hbm>> -> memref<1000000x64xf32, #tpu.memory_space<hbm>>
    tpu.wait_indirect_dma semaphore(%arg11 : memref<!tpu.dma_semaphore, #tpu.memory_space<semaphore_mem>>) src(%dma_wait3A_430 : memref<1000000x64xf32, #tpu.memory_space<hbm>>) dst(%dma_wait3A_420 : memref<128x64xf32, #tpu.memory_space<vmem>>)
    %dma_wait3A_431 = arith.constant 1 : i32
    %dma_wait3A_432 = arith.constant 2 : i32
    %dma_wait3A_433 = arith.constant 1 : i32
    %dma_wait3A_434 = arith.constant 0 : i32
    %dma_wait3A_435 = arith.constant 0 : i32
    %dma_wait3A_436 = tpu.memref_slice %arg6[%dma_wait3A_433, %dma_wait3A_434, %dma_wait3A_435] : memref<2x640x64xf32, #tpu.memory_space<vmem>> -> memref<1x640x64xf32, #tpu.memory_space<vmem>>
    %dma_wait3A_437 = tpu.memref_squeeze %dma_wait3A_436 : memref<1x640x64xf32, #tpu.memory_space<vmem>> -> memref<640x64xf32, #tpu.memory_space<vmem>>
    %dma_wait3A_438 = arith.constant 256 : i32
    %dma_wait3A_439 = arith.constant 0 : i32
    %dma_wait3A_440 = tpu.memref_slice %dma_wait3A_437[%dma_wait3A_438, %dma_wait3A_439] : memref<640x64xf32, #tpu.memory_space<vmem>> -> memref<128x64xf32, #tpu.memory_space<vmem>>
    %dma_wait3A_441 = arith.constant 0 : i32
    %dma_wait3A_442 = arith.constant 0 : i32
    %dma_wait3A_443 = tpu.memref_slice %arg5[%dma_wait3A_431, %dma_wait3A_441, %dma_wait3A_442] : memref<2x5x128xi32, #tpu.memory_space<vmem>> -> memref<1x5x128xi32, #tpu.memory_space<vmem>>
    %dma_wait3A_444 = tpu.memref_squeeze %dma_wait3A_443 : memref<1x5x128xi32, #tpu.memory_space<vmem>> -> memref<5x128xi32, #tpu.memory_space<vmem>>
    %dma_wait3A_445 = arith.constant 0 : i32
    %dma_wait3A_446 = tpu.memref_slice %dma_wait3A_444[%dma_wait3A_432, %dma_wait3A_445] : memref<5x128xi32, #tpu.memory_space<vmem>> -> memref<1x128xi32, #tpu.memory_space<vmem>>
    %dma_wait3A_447 = tpu.memref_squeeze %dma_wait3A_446 : memref<1x128xi32, #tpu.memory_space<vmem>> -> memref<128xi32, #tpu.memory_space<vmem>>
    %dma_wait3A_448 = arith.constant 0 : i32
    %dma_wait3A_449 = arith.constant 0 : i32
    %dma_wait3A_450 = tpu.memref_slice %arg3[%dma_wait3A_448, %dma_wait3A_449] : memref<1000000x64xf32, #tpu.memory_space<hbm>> -> memref<1000000x64xf32, #tpu.memory_space<hbm>>
    tpu.wait_indirect_dma semaphore(%arg11 : memref<!tpu.dma_semaphore, #tpu.memory_space<semaphore_mem>>) src(%dma_wait3A_450 : memref<1000000x64xf32, #tpu.memory_space<hbm>>) dst(%dma_wait3A_440 : memref<128x64xf32, #tpu.memory_space<vmem>>)
    %dma_wait3A_451 = arith.constant 1 : i32
    %dma_wait3A_452 = arith.constant 3 : i32
    %dma_wait3A_453 = arith.constant 1 : i32
    %dma_wait3A_454 = arith.constant 0 : i32
    %dma_wait3A_455 = arith.constant 0 : i32
    %dma_wait3A_456 = tpu.memref_slice %arg6[%dma_wait3A_453, %dma_wait3A_454, %dma_wait3A_455] : memref<2x640x64xf32, #tpu.memory_space<vmem>> -> memref<1x640x64xf32, #tpu.memory_space<vmem>>
    %dma_wait3A_457 = tpu.memref_squeeze %dma_wait3A_456 : memref<1x640x64xf32, #tpu.memory_space<vmem>> -> memref<640x64xf32, #tpu.memory_space<vmem>>
    %dma_wait3A_458 = arith.constant 384 : i32
    %dma_wait3A_459 = arith.constant 0 : i32
    %dma_wait3A_460 = tpu.memref_slice %dma_wait3A_457[%dma_wait3A_458, %dma_wait3A_459] : memref<640x64xf32, #tpu.memory_space<vmem>> -> memref<128x64xf32, #tpu.memory_space<vmem>>
    %dma_wait3A_461 = arith.constant 0 : i32
    %dma_wait3A_462 = arith.constant 0 : i32
    %dma_wait3A_463 = tpu.memref_slice %arg5[%dma_wait3A_451, %dma_wait3A_461, %dma_wait3A_462] : memref<2x5x128xi32, #tpu.memory_space<vmem>> -> memref<1x5x128xi32, #tpu.memory_space<vmem>>
    %dma_wait3A_464 = tpu.memref_squeeze %dma_wait3A_463 : memref<1x5x128xi32, #tpu.memory_space<vmem>> -> memref<5x128xi32, #tpu.memory_space<vmem>>
    %dma_wait3A_465 = arith.constant 0 : i32
    %dma_wait3A_466 = tpu.memref_slice %dma_wait3A_464[%dma_wait3A_452, %dma_wait3A_465] : memref<5x128xi32, #tpu.memory_space<vmem>> -> memref<1x128xi32, #tpu.memory_space<vmem>>
    %dma_wait3A_467 = tpu.memref_squeeze %dma_wait3A_466 : memref<1x128xi32, #tpu.memory_space<vmem>> -> memref<128xi32, #tpu.memory_space<vmem>>
    %dma_wait3A_468 = arith.constant 0 : i32
    %dma_wait3A_469 = arith.constant 0 : i32
    %dma_wait3A_470 = tpu.memref_slice %arg3[%dma_wait3A_468, %dma_wait3A_469] : memref<1000000x64xf32, #tpu.memory_space<hbm>> -> memref<1000000x64xf32, #tpu.memory_space<hbm>>
    tpu.wait_indirect_dma semaphore(%arg11 : memref<!tpu.dma_semaphore, #tpu.memory_space<semaphore_mem>>) src(%dma_wait3A_470 : memref<1000000x64xf32, #tpu.memory_space<hbm>>) dst(%dma_wait3A_460 : memref<128x64xf32, #tpu.memory_space<vmem>>)
    %dma_wait3A_471 = arith.constant 1 : i32
    %dma_wait3A_472 = arith.constant 4 : i32
    %dma_wait3A_473 = arith.constant 1 : i32
    %dma_wait3A_474 = arith.constant 0 : i32
    %dma_wait3A_475 = arith.constant 0 : i32
    %dma_wait3A_476 = tpu.memref_slice %arg6[%dma_wait3A_473, %dma_wait3A_474, %dma_wait3A_475] : memref<2x640x64xf32, #tpu.memory_space<vmem>> -> memref<1x640x64xf32, #tpu.memory_space<vmem>>
    %dma_wait3A_477 = tpu.memref_squeeze %dma_wait3A_476 : memref<1x640x64xf32, #tpu.memory_space<vmem>> -> memref<640x64xf32, #tpu.memory_space<vmem>>
    %dma_wait3A_478 = arith.constant 512 : i32
    %dma_wait3A_479 = arith.constant 0 : i32
    %dma_wait3A_480 = tpu.memref_slice %dma_wait3A_477[%dma_wait3A_478, %dma_wait3A_479] : memref<640x64xf32, #tpu.memory_space<vmem>> -> memref<128x64xf32, #tpu.memory_space<vmem>>
    %dma_wait3A_481 = arith.constant 0 : i32
    %dma_wait3A_482 = arith.constant 0 : i32
    %dma_wait3A_483 = tpu.memref_slice %arg5[%dma_wait3A_471, %dma_wait3A_481, %dma_wait3A_482] : memref<2x5x128xi32, #tpu.memory_space<vmem>> -> memref<1x5x128xi32, #tpu.memory_space<vmem>>
    %dma_wait3A_484 = tpu.memref_squeeze %dma_wait3A_483 : memref<1x5x128xi32, #tpu.memory_space<vmem>> -> memref<5x128xi32, #tpu.memory_space<vmem>>
    %dma_wait3A_485 = arith.constant 0 : i32
    %dma_wait3A_486 = tpu.memref_slice %dma_wait3A_484[%dma_wait3A_472, %dma_wait3A_485] : memref<5x128xi32, #tpu.memory_space<vmem>> -> memref<1x128xi32, #tpu.memory_space<vmem>>
    %dma_wait3A_487 = tpu.memref_squeeze %dma_wait3A_486 : memref<1x128xi32, #tpu.memory_space<vmem>> -> memref<128xi32, #tpu.memory_space<vmem>>
    %dma_wait3A_488 = arith.constant 0 : i32
    %dma_wait3A_489 = arith.constant 0 : i32
    %dma_wait3A_490 = tpu.memref_slice %arg3[%dma_wait3A_488, %dma_wait3A_489] : memref<1000000x64xf32, #tpu.memory_space<hbm>> -> memref<1000000x64xf32, #tpu.memory_space<hbm>>
    tpu.wait_indirect_dma semaphore(%arg11 : memref<!tpu.dma_semaphore, #tpu.memory_space<semaphore_mem>>) src(%dma_wait3A_490 : memref<1000000x64xf32, #tpu.memory_space<hbm>>) dst(%dma_wait3A_480 : memref<128x64xf32, #tpu.memory_space<vmem>>)
    %add3A_491 = arith.constant 640 : i32
    %add3A_492 = arith.addi %mul3A_6, %add3A_491 : i32
    %dma_start3A_493 = arith.constant 1 : i32
    %dma_start3A_494 = arith.constant 0 : i32
    %dma_start3A_495 = arith.constant 0 : i32
    %dma_start3A_496 = tpu.memref_slice %arg6[%dma_start3A_493, %dma_start3A_494, %dma_start3A_495] : memref<2x640x64xf32, #tpu.memory_space<vmem>> -> memref<1x640x64xf32, #tpu.memory_space<vmem>>
    %dma_start3A_497 = tpu.memref_squeeze %dma_start3A_496 : memref<1x640x64xf32, #tpu.memory_space<vmem>> -> memref<640x64xf32, #tpu.memory_space<vmem>>
    %dma_start3A_498 = arith.constant 0 : i32
    %dma_start3A_499 = tpu.memref_slice %arg4[%add3A_492, %dma_start3A_498] : memref<819200x64xf32, #tpu.memory_space<hbm>> -> memref<640x64xf32, #tpu.memory_space<hbm>>
    %dma_start3A_500 = arith.constant 0 : i32
    %dma_start3A_501 = tpu.memref_slice %arg4[%add3A_492, %dma_start3A_500] : memref<819200x64xf32, #tpu.memory_space<hbm>> -> memref<640x64xf32, #tpu.memory_space<hbm>>
    %dma_start3A_502 = arith.constant 0 : i32
    %dma_start3A_503 = arith.constant 0 : i32
    %dma_start3A_504 = tpu.memref_slice %arg6[%dma_start3A_493, %dma_start3A_502, %dma_start3A_503] : memref<2x640x64xf32, #tpu.memory_space<vmem>> -> memref<1x640x64xf32, #tpu.memory_space<vmem>>
    %dma_start3A_505 = tpu.memref_squeeze %dma_start3A_504 : memref<1x640x64xf32, #tpu.memory_space<vmem>> -> memref<640x64xf32, #tpu.memory_space<vmem>>
    tpu.enqueue_dma source(%dma_start3A_505 : memref<640x64xf32, #tpu.memory_space<vmem>>) target(%dma_start3A_501 : memref<640x64xf32, #tpu.memory_space<hbm>>) target_semaphore(%arg10 : memref<!tpu.dma_semaphore, #tpu.memory_space<semaphore_mem>>)
    %scan3A = arith.constant 0 : i32
    %scan3A_506 = arith.constant 1 : i32
    %scan3A_507 = arith.constant 19 : i32
    %scan3A_508 = arith.addi %scan3A_506, %scan3A_507 : i32
    %scan3A_509 = arith.constant 1 : i32
    scf.for %scan3A_550 = %scan3A_506 to %scan3A_508 step %scan3A_509  : i32 {
      %mul3A_551 = arith.constant 2 : i32
      %mul3A_552 = arith.muli %mul3A_551, %scan3A_550 : i32
      %add3A_553 = arith.constant 0 : i32
      %add3A_554 = arith.addi %mul3A_552, %add3A_553 : i32
      %mul3A_555 = arith.constant 5 : i32
      %mul3A_556 = arith.muli %add3A_554, %mul3A_555 : i32
      %add3A_557 = arith.addi %mul3A_2, %mul3A_556 : i32
      %dma_wait3A_558 = arith.constant 0 : i32
      %dma_wait3A_559 = arith.constant 0 : i32
      %dma_wait3A_560 = arith.constant 0 : i32
      %dma_wait3A_561 = tpu.memref_slice %arg5[%dma_wait3A_558, %dma_wait3A_559, %dma_wait3A_560] : memref<2x5x128xi32, #tpu.memory_space<vmem>> -> memref<1x5x128xi32, #tpu.memory_space<vmem>>
      %dma_wait3A_562 = tpu.memref_squeeze %dma_wait3A_561 : memref<1x5x128xi32, #tpu.memory_space<vmem>> -> memref<5x128xi32, #tpu.memory_space<vmem>>
      %dma_wait3A_563 = arith.constant 0 : i32
      %dma_wait3A_564 = tpu.memref_slice %arg2[%add3A_557, %dma_wait3A_563] : memref<6400x128xi32, #tpu.memory_space<hbm>> -> memref<5x128xi32, #tpu.memory_space<hbm>>
      %dma_wait3A_565 = arith.constant 0 : i32
      %dma_wait3A_566 = arith.constant 0 : i32
      %dma_wait3A_567 = tpu.memref_slice %arg5[%dma_wait3A_558, %dma_wait3A_565, %dma_wait3A_566] : memref<2x5x128xi32, #tpu.memory_space<vmem>> -> memref<1x5x128xi32, #tpu.memory_space<vmem>>
      %dma_wait3A_568 = tpu.memref_squeeze %dma_wait3A_567 : memref<1x5x128xi32, #tpu.memory_space<vmem>> -> memref<5x128xi32, #tpu.memory_space<vmem>>
      %dma_wait3A_569 = arith.constant 0 : i32
      %dma_wait3A_570 = tpu.memref_slice %arg2[%add3A_557, %dma_wait3A_569] : memref<6400x128xi32, #tpu.memory_space<hbm>> -> memref<5x128xi32, #tpu.memory_space<hbm>>
      tpu.wait_dma2 semaphore(%arg7 : memref<!tpu.dma_semaphore, #tpu.memory_space<semaphore_mem>>) src(%dma_wait3A_570 : memref<5x128xi32, #tpu.memory_space<hbm>>) dst(%dma_wait3A_568 : memref<5x128xi32, #tpu.memory_space<vmem>>)
      %dma_wait3A_571 = arith.constant 0 : i32
      %dma_wait3A_572 = arith.constant 0 : i32
      %dma_wait3A_573 = arith.constant 0 : i32
      %dma_wait3A_574 = tpu.memref_slice %arg6[%dma_wait3A_571, %dma_wait3A_572, %dma_wait3A_573] : memref<2x640x64xf32, #tpu.memory_space<vmem>> -> memref<1x640x64xf32, #tpu.memory_space<vmem>>
      %dma_wait3A_575 = tpu.memref_squeeze %dma_wait3A_574 : memref<1x640x64xf32, #tpu.memory_space<vmem>> -> memref<640x64xf32, #tpu.memory_space<vmem>>
      %dma_wait3A_576 = arith.constant 0 : i32
      %dma_wait3A_577 = tpu.memref_slice %arg4[%mul3A_6, %dma_wait3A_576] : memref<819200x64xf32, #tpu.memory_space<hbm>> -> memref<640x64xf32, #tpu.memory_space<hbm>>
      %dma_wait3A_578 = arith.constant 0 : i32
      %dma_wait3A_579 = tpu.memref_slice %arg4[%mul3A_6, %dma_wait3A_578] : memref<819200x64xf32, #tpu.memory_space<hbm>> -> memref<640x64xf32, #tpu.memory_space<hbm>>
      %dma_wait3A_580 = arith.constant 0 : i32
      %dma_wait3A_581 = arith.constant 0 : i32
      %dma_wait3A_582 = tpu.memref_slice %arg6[%dma_wait3A_571, %dma_wait3A_580, %dma_wait3A_581] : memref<2x640x64xf32, #tpu.memory_space<vmem>> -> memref<1x640x64xf32, #tpu.memory_space<vmem>>
      %dma_wait3A_583 = tpu.memref_squeeze %dma_wait3A_582 : memref<1x640x64xf32, #tpu.memory_space<vmem>> -> memref<640x64xf32, #tpu.memory_space<vmem>>
      tpu.wait_dma2 semaphore(%arg9 : memref<!tpu.dma_semaphore, #tpu.memory_space<semaphore_mem>>) src(%dma_wait3A_583 : memref<640x64xf32, #tpu.memory_space<vmem>>) dst(%dma_wait3A_579 : memref<640x64xf32, #tpu.memory_space<hbm>>)
      %dma_start3A_584 = arith.constant 0 : i32
      %dma_start3A_585 = arith.constant 0 : i32
      %dma_start3A_586 = arith.constant 0 : i32
      %dma_start3A_587 = arith.constant 0 : i32
      %dma_start3A_588 = arith.constant 0 : i32
      %dma_start3A_589 = tpu.memref_slice %arg6[%dma_start3A_586, %dma_start3A_587, %dma_start3A_588] : memref<2x640x64xf32, #tpu.memory_space<vmem>> -> memref<1x640x64xf32, #tpu.memory_space<vmem>>
      %dma_start3A_590 = tpu.memref_squeeze %dma_start3A_589 : memref<1x640x64xf32, #tpu.memory_space<vmem>> -> memref<640x64xf32, #tpu.memory_space<vmem>>
      %dma_start3A_591 = arith.constant 0 : i32
      %dma_start3A_592 = arith.constant 0 : i32
      %dma_start3A_593 = tpu.memref_slice %dma_start3A_590[%dma_start3A_591, %dma_start3A_592] : memref<640x64xf32, #tpu.memory_space<vmem>> -> memref<128x64xf32, #tpu.memory_space<vmem>>
      %dma_start3A_594 = arith.constant 0 : i32
      %dma_start3A_595 = arith.constant 0 : i32
      %dma_start3A_596 = tpu.memref_slice %arg5[%dma_start3A_584, %dma_start3A_594, %dma_start3A_595] : memref<2x5x128xi32, #tpu.memory_space<vmem>> -> memref<1x5x128xi32, #tpu.memory_space<vmem>>
      %dma_start3A_597 = tpu.memref_squeeze %dma_start3A_596 : memref<1x5x128xi32, #tpu.memory_space<vmem>> -> memref<5x128xi32, #tpu.memory_space<vmem>>
      %dma_start3A_598 = arith.constant 0 : i32
      %dma_start3A_599 = tpu.memref_slice %dma_start3A_597[%dma_start3A_585, %dma_start3A_598] : memref<5x128xi32, #tpu.memory_space<vmem>> -> memref<1x128xi32, #tpu.memory_space<vmem>>
      %dma_start3A_600 = tpu.memref_squeeze %dma_start3A_599 : memref<1x128xi32, #tpu.memory_space<vmem>> -> memref<128xi32, #tpu.memory_space<vmem>>
      %dma_start3A_601 = arith.constant 0 : i32
      %dma_start3A_602 = arith.constant 0 : i32
      %dma_start3A_603 = tpu.memref_slice %arg3[%dma_start3A_601, %dma_start3A_602] : memref<1000000x64xf32, #tpu.memory_space<hbm>> -> memref<1000000x64xf32, #tpu.memory_space<hbm>>
      tpu.enqueue_indirect_dma source(%dma_start3A_603 : memref<1000000x64xf32, #tpu.memory_space<hbm>>) target(%dma_start3A_593 : memref<128x64xf32, #tpu.memory_space<vmem>>) offsets(%dma_start3A_600 : memref<128xi32, #tpu.memory_space<vmem>>) semaphore(%arg11 : memref<!tpu.dma_semaphore, #tpu.memory_space<semaphore_mem>>)
      %dma_start3A_604 = arith.constant 0 : i32
      %dma_start3A_605 = arith.constant 1 : i32
      %dma_start3A_606 = arith.constant 0 : i32
      %dma_start3A_607 = arith.constant 0 : i32
      %dma_start3A_608 = arith.constant 0 : i32
      %dma_start3A_609 = tpu.memref_slice %arg6[%dma_start3A_606, %dma_start3A_607, %dma_start3A_608] : memref<2x640x64xf32, #tpu.memory_space<vmem>> -> memref<1x640x64xf32, #tpu.memory_space<vmem>>
      %dma_start3A_610 = tpu.memref_squeeze %dma_start3A_609 : memref<1x640x64xf32, #tpu.memory_space<vmem>> -> memref<640x64xf32, #tpu.memory_space<vmem>>
      %dma_start3A_611 = arith.constant 128 : i32
      %dma_start3A_612 = arith.constant 0 : i32
      %dma_start3A_613 = tpu.memref_slice %dma_start3A_610[%dma_start3A_611, %dma_start3A_612] : memref<640x64xf32, #tpu.memory_space<vmem>> -> memref<128x64xf32, #tpu.memory_space<vmem>>
      %dma_start3A_614 = arith.constant 0 : i32
      %dma_start3A_615 = arith.constant 0 : i32
      %dma_start3A_616 = tpu.memref_slice %arg5[%dma_start3A_604, %dma_start3A_614, %dma_start3A_615] : memref<2x5x128xi32, #tpu.memory_space<vmem>> -> memref<1x5x128xi32, #tpu.memory_space<vmem>>
      %dma_start3A_617 = tpu.memref_squeeze %dma_start3A_616 : memref<1x5x128xi32, #tpu.memory_space<vmem>> -> memref<5x128xi32, #tpu.memory_space<vmem>>
      %dma_start3A_618 = arith.constant 0 : i32
      %dma_start3A_619 = tpu.memref_slice %dma_start3A_617[%dma_start3A_605, %dma_start3A_618] : memref<5x128xi32, #tpu.memory_space<vmem>> -> memref<1x128xi32, #tpu.memory_space<vmem>>
      %dma_start3A_620 = tpu.memref_squeeze %dma_start3A_619 : memref<1x128xi32, #tpu.memory_space<vmem>> -> memref<128xi32, #tpu.memory_space<vmem>>
      %dma_start3A_621 = arith.constant 0 : i32
      %dma_start3A_622 = arith.constant 0 : i32
      %dma_start3A_623 = tpu.memref_slice %arg3[%dma_start3A_621, %dma_start3A_622] : memref<1000000x64xf32, #tpu.memory_space<hbm>> -> memref<1000000x64xf32, #tpu.memory_space<hbm>>
      tpu.enqueue_indirect_dma source(%dma_start3A_623 : memref<1000000x64xf32, #tpu.memory_space<hbm>>) target(%dma_start3A_613 : memref<128x64xf32, #tpu.memory_space<vmem>>) offsets(%dma_start3A_620 : memref<128xi32, #tpu.memory_space<vmem>>) semaphore(%arg11 : memref<!tpu.dma_semaphore, #tpu.memory_space<semaphore_mem>>)
      %dma_start3A_624 = arith.constant 0 : i32
      %dma_start3A_625 = arith.constant 2 : i32
      %dma_start3A_626 = arith.constant 0 : i32
      %dma_start3A_627 = arith.constant 0 : i32
      %dma_start3A_628 = arith.constant 0 : i32
      %dma_start3A_629 = tpu.memref_slice %arg6[%dma_start3A_626, %dma_start3A_627, %dma_start3A_628] : memref<2x640x64xf32, #tpu.memory_space<vmem>> -> memref<1x640x64xf32, #tpu.memory_space<vmem>>
      %dma_start3A_630 = tpu.memref_squeeze %dma_start3A_629 : memref<1x640x64xf32, #tpu.memory_space<vmem>> -> memref<640x64xf32, #tpu.memory_space<vmem>>
      %dma_start3A_631 = arith.constant 256 : i32
      %dma_start3A_632 = arith.constant 0 : i32
      %dma_start3A_633 = tpu.memref_slice %dma_start3A_630[%dma_start3A_631, %dma_start3A_632] : memref<640x64xf32, #tpu.memory_space<vmem>> -> memref<128x64xf32, #tpu.memory_space<vmem>>
      %dma_start3A_634 = arith.constant 0 : i32
      %dma_start3A_635 = arith.constant 0 : i32
      %dma_start3A_636 = tpu.memref_slice %arg5[%dma_start3A_624, %dma_start3A_634, %dma_start3A_635] : memref<2x5x128xi32, #tpu.memory_space<vmem>> -> memref<1x5x128xi32, #tpu.memory_space<vmem>>
      %dma_start3A_637 = tpu.memref_squeeze %dma_start3A_636 : memref<1x5x128xi32, #tpu.memory_space<vmem>> -> memref<5x128xi32, #tpu.memory_space<vmem>>
      %dma_start3A_638 = arith.constant 0 : i32
      %dma_start3A_639 = tpu.memref_slice %dma_start3A_637[%dma_start3A_625, %dma_start3A_638] : memref<5x128xi32, #tpu.memory_space<vmem>> -> memref<1x128xi32, #tpu.memory_space<vmem>>
      %dma_start3A_640 = tpu.memref_squeeze %dma_start3A_639 : memref<1x128xi32, #tpu.memory_space<vmem>> -> memref<128xi32, #tpu.memory_space<vmem>>
      %dma_start3A_641 = arith.constant 0 : i32
      %dma_start3A_642 = arith.constant 0 : i32
      %dma_start3A_643 = tpu.memref_slice %arg3[%dma_start3A_641, %dma_start3A_642] : memref<1000000x64xf32, #tpu.memory_space<hbm>> -> memref<1000000x64xf32, #tpu.memory_space<hbm>>
      tpu.enqueue_indirect_dma source(%dma_start3A_643 : memref<1000000x64xf32, #tpu.memory_space<hbm>>) target(%dma_start3A_633 : memref<128x64xf32, #tpu.memory_space<vmem>>) offsets(%dma_start3A_640 : memref<128xi32, #tpu.memory_space<vmem>>) semaphore(%arg11 : memref<!tpu.dma_semaphore, #tpu.memory_space<semaphore_mem>>)
      %dma_start3A_644 = arith.constant 0 : i32
      %dma_start3A_645 = arith.constant 3 : i32
      %dma_start3A_646 = arith.constant 0 : i32
      %dma_start3A_647 = arith.constant 0 : i32
      %dma_start3A_648 = arith.constant 0 : i32
      %dma_start3A_649 = tpu.memref_slice %arg6[%dma_start3A_646, %dma_start3A_647, %dma_start3A_648] : memref<2x640x64xf32, #tpu.memory_space<vmem>> -> memref<1x640x64xf32, #tpu.memory_space<vmem>>
      %dma_start3A_650 = tpu.memref_squeeze %dma_start3A_649 : memref<1x640x64xf32, #tpu.memory_space<vmem>> -> memref<640x64xf32, #tpu.memory_space<vmem>>
      %dma_start3A_651 = arith.constant 384 : i32
      %dma_start3A_652 = arith.constant 0 : i32
      %dma_start3A_653 = tpu.memref_slice %dma_start3A_650[%dma_start3A_651, %dma_start3A_652] : memref<640x64xf32, #tpu.memory_space<vmem>> -> memref<128x64xf32, #tpu.memory_space<vmem>>
      %dma_start3A_654 = arith.constant 0 : i32
      %dma_start3A_655 = arith.constant 0 : i32
      %dma_start3A_656 = tpu.memref_slice %arg5[%dma_start3A_644, %dma_start3A_654, %dma_start3A_655] : memref<2x5x128xi32, #tpu.memory_space<vmem>> -> memref<1x5x128xi32, #tpu.memory_space<vmem>>
      %dma_start3A_657 = tpu.memref_squeeze %dma_start3A_656 : memref<1x5x128xi32, #tpu.memory_space<vmem>> -> memref<5x128xi32, #tpu.memory_space<vmem>>
      %dma_start3A_658 = arith.constant 0 : i32
      %dma_start3A_659 = tpu.memref_slice %dma_start3A_657[%dma_start3A_645, %dma_start3A_658] : memref<5x128xi32, #tpu.memory_space<vmem>> -> memref<1x128xi32, #tpu.memory_space<vmem>>
      %dma_start3A_660 = tpu.memref_squeeze %dma_start3A_659 : memref<1x128xi32, #tpu.memory_space<vmem>> -> memref<128xi32, #tpu.memory_space<vmem>>
      %dma_start3A_661 = arith.constant 0 : i32
      %dma_start3A_662 = arith.constant 0 : i32
      %dma_start3A_663 = tpu.memref_slice %arg3[%dma_start3A_661, %dma_start3A_662] : memref<1000000x64xf32, #tpu.memory_space<hbm>> -> memref<1000000x64xf32, #tpu.memory_space<hbm>>
      tpu.enqueue_indirect_dma source(%dma_start3A_663 : memref<1000000x64xf32, #tpu.memory_space<hbm>>) target(%dma_start3A_653 : memref<128x64xf32, #tpu.memory_space<vmem>>) offsets(%dma_start3A_660 : memref<128xi32, #tpu.memory_space<vmem>>) semaphore(%arg11 : memref<!tpu.dma_semaphore, #tpu.memory_space<semaphore_mem>>)
      %dma_start3A_664 = arith.constant 0 : i32
      %dma_start3A_665 = arith.constant 4 : i32
      %dma_start3A_666 = arith.constant 0 : i32
      %dma_start3A_667 = arith.constant 0 : i32
      %dma_start3A_668 = arith.constant 0 : i32
      %dma_start3A_669 = tpu.memref_slice %arg6[%dma_start3A_666, %dma_start3A_667, %dma_start3A_668] : memref<2x640x64xf32, #tpu.memory_space<vmem>> -> memref<1x640x64xf32, #tpu.memory_space<vmem>>
      %dma_start3A_670 = tpu.memref_squeeze %dma_start3A_669 : memref<1x640x64xf32, #tpu.memory_space<vmem>> -> memref<640x64xf32, #tpu.memory_space<vmem>>
      %dma_start3A_671 = arith.constant 512 : i32
      %dma_start3A_672 = arith.constant 0 : i32
      %dma_start3A_673 = tpu.memref_slice %dma_start3A_670[%dma_start3A_671, %dma_start3A_672] : memref<640x64xf32, #tpu.memory_space<vmem>> -> memref<128x64xf32, #tpu.memory_space<vmem>>
      %dma_start3A_674 = arith.constant 0 : i32
      %dma_start3A_675 = arith.constant 0 : i32
      %dma_start3A_676 = tpu.memref_slice %arg5[%dma_start3A_664, %dma_start3A_674, %dma_start3A_675] : memref<2x5x128xi32, #tpu.memory_space<vmem>> -> memref<1x5x128xi32, #tpu.memory_space<vmem>>
      %dma_start3A_677 = tpu.memref_squeeze %dma_start3A_676 : memref<1x5x128xi32, #tpu.memory_space<vmem>> -> memref<5x128xi32, #tpu.memory_space<vmem>>
      %dma_start3A_678 = arith.constant 0 : i32
      %dma_start3A_679 = tpu.memref_slice %dma_start3A_677[%dma_start3A_665, %dma_start3A_678] : memref<5x128xi32, #tpu.memory_space<vmem>> -> memref<1x128xi32, #tpu.memory_space<vmem>>
      %dma_start3A_680 = tpu.memref_squeeze %dma_start3A_679 : memref<1x128xi32, #tpu.memory_space<vmem>> -> memref<128xi32, #tpu.memory_space<vmem>>
      %dma_start3A_681 = arith.constant 0 : i32
      %dma_start3A_682 = arith.constant 0 : i32
      %dma_start3A_683 = tpu.memref_slice %arg3[%dma_start3A_681, %dma_start3A_682] : memref<1000000x64xf32, #tpu.memory_space<hbm>> -> memref<1000000x64xf32, #tpu.memory_space<hbm>>
      tpu.enqueue_indirect_dma source(%dma_start3A_683 : memref<1000000x64xf32, #tpu.memory_space<hbm>>) target(%dma_start3A_673 : memref<128x64xf32, #tpu.memory_space<vmem>>) offsets(%dma_start3A_680 : memref<128xi32, #tpu.memory_space<vmem>>) semaphore(%arg11 : memref<!tpu.dma_semaphore, #tpu.memory_space<semaphore_mem>>)
      %add3A_684 = arith.constant 1 : i32
      %add3A_685 = arith.addi %add3A_554, %add3A_684 : i32
      %rem3A = arith.constant 40 : i32
      %rem3A_686 = arith.remsi %add3A_685, %rem3A : i32
      %mul3A_687 = arith.constant 5 : i32
      %mul3A_688 = arith.muli %rem3A_686, %mul3A_687 : i32
      %add3A_689 = arith.addi %mul3A_2, %mul3A_688 : i32
      %dma_start3A_690 = arith.constant 1 : i32
      %dma_start3A_691 = arith.constant 0 : i32
      %dma_start3A_692 = arith.constant 0 : i32
      %dma_start3A_693 = tpu.memref_slice %arg5[%dma_start3A_690, %dma_start3A_691, %dma_start3A_692] : memref<2x5x128xi32, #tpu.memory_space<vmem>> -> memref<1x5x128xi32, #tpu.memory_space<vmem>>
      %dma_start3A_694 = tpu.memref_squeeze %dma_start3A_693 : memref<1x5x128xi32, #tpu.memory_space<vmem>> -> memref<5x128xi32, #tpu.memory_space<vmem>>
      %dma_start3A_695 = arith.constant 0 : i32
      %dma_start3A_696 = tpu.memref_slice %arg2[%add3A_689, %dma_start3A_695] : memref<6400x128xi32, #tpu.memory_space<hbm>> -> memref<5x128xi32, #tpu.memory_space<hbm>>
      %dma_start3A_697 = arith.constant 0 : i32
      %dma_start3A_698 = arith.constant 0 : i32
      %dma_start3A_699 = tpu.memref_slice %arg5[%dma_start3A_690, %dma_start3A_697, %dma_start3A_698] : memref<2x5x128xi32, #tpu.memory_space<vmem>> -> memref<1x5x128xi32, #tpu.memory_space<vmem>>
      %dma_start3A_700 = tpu.memref_squeeze %dma_start3A_699 : memref<1x5x128xi32, #tpu.memory_space<vmem>> -> memref<5x128xi32, #tpu.memory_space<vmem>>
      %dma_start3A_701 = arith.constant 0 : i32
      %dma_start3A_702 = tpu.memref_slice %arg2[%add3A_689, %dma_start3A_701] : memref<6400x128xi32, #tpu.memory_space<hbm>> -> memref<5x128xi32, #tpu.memory_space<hbm>>
      tpu.enqueue_dma source(%dma_start3A_702 : memref<5x128xi32, #tpu.memory_space<hbm>>) target(%dma_start3A_700 : memref<5x128xi32, #tpu.memory_space<vmem>>) target_semaphore(%arg8 : memref<!tpu.dma_semaphore, #tpu.memory_space<semaphore_mem>>)
      %dma_wait3A_703 = arith.constant 0 : i32
      %dma_wait3A_704 = arith.constant 0 : i32
      %dma_wait3A_705 = arith.constant 0 : i32
      %dma_wait3A_706 = arith.constant 0 : i32
      %dma_wait3A_707 = arith.constant 0 : i32
      %dma_wait3A_708 = tpu.memref_slice %arg6[%dma_wait3A_705, %dma_wait3A_706, %dma_wait3A_707] : memref<2x640x64xf32, #tpu.memory_space<vmem>> -> memref<1x640x64xf32, #tpu.memory_space<vmem>>
      %dma_wait3A_709 = tpu.memref_squeeze %dma_wait3A_708 : memref<1x640x64xf32, #tpu.memory_space<vmem>> -> memref<640x64xf32, #tpu.memory_space<vmem>>
      %dma_wait3A_710 = arith.constant 0 : i32
      %dma_wait3A_711 = arith.constant 0 : i32
      %dma_wait3A_712 = tpu.memref_slice %dma_wait3A_709[%dma_wait3A_710, %dma_wait3A_711] : memref<640x64xf32, #tpu.memory_space<vmem>> -> memref<128x64xf32, #tpu.memory_space<vmem>>
      %dma_wait3A_713 = arith.constant 0 : i32
      %dma_wait3A_714 = arith.constant 0 : i32
      %dma_wait3A_715 = tpu.memref_slice %arg5[%dma_wait3A_703, %dma_wait3A_713, %dma_wait3A_714] : memref<2x5x128xi32, #tpu.memory_space<vmem>> -> memref<1x5x128xi32, #tpu.memory_space<vmem>>
      %dma_wait3A_716 = tpu.memref_squeeze %dma_wait3A_715 : memref<1x5x128xi32, #tpu.memory_space<vmem>> -> memref<5x128xi32, #tpu.memory_space<vmem>>
      %dma_wait3A_717 = arith.constant 0 : i32
      %dma_wait3A_718 = tpu.memref_slice %dma_wait3A_716[%dma_wait3A_704, %dma_wait3A_717] : memref<5x128xi32, #tpu.memory_space<vmem>> -> memref<1x128xi32, #tpu.memory_space<vmem>>
      %dma_wait3A_719 = tpu.memref_squeeze %dma_wait3A_718 : memref<1x128xi32, #tpu.memory_space<vmem>> -> memref<128xi32, #tpu.memory_space<vmem>>
      %dma_wait3A_720 = arith.constant 0 : i32
      %dma_wait3A_721 = arith.constant 0 : i32
      %dma_wait3A_722 = tpu.memref_slice %arg3[%dma_wait3A_720, %dma_wait3A_721] : memref<1000000x64xf32, #tpu.memory_space<hbm>> -> memref<1000000x64xf32, #tpu.memory_space<hbm>>
      tpu.wait_indirect_dma semaphore(%arg11 : memref<!tpu.dma_semaphore, #tpu.memory_space<semaphore_mem>>) src(%dma_wait3A_722 : memref<1000000x64xf32, #tpu.memory_space<hbm>>) dst(%dma_wait3A_712 : memref<128x64xf32, #tpu.memory_space<vmem>>)
      %dma_wait3A_723 = arith.constant 0 : i32
      %dma_wait3A_724 = arith.constant 1 : i32
      %dma_wait3A_725 = arith.constant 0 : i32
      %dma_wait3A_726 = arith.constant 0 : i32
      %dma_wait3A_727 = arith.constant 0 : i32
      %dma_wait3A_728 = tpu.memref_slice %arg6[%dma_wait3A_725, %dma_wait3A_726, %dma_wait3A_727] : memref<2x640x64xf32, #tpu.memory_space<vmem>> -> memref<1x640x64xf32, #tpu.memory_space<vmem>>
      %dma_wait3A_729 = tpu.memref_squeeze %dma_wait3A_728 : memref<1x640x64xf32, #tpu.memory_space<vmem>> -> memref<640x64xf32, #tpu.memory_space<vmem>>
      %dma_wait3A_730 = arith.constant 128 : i32
      %dma_wait3A_731 = arith.constant 0 : i32
      %dma_wait3A_732 = tpu.memref_slice %dma_wait3A_729[%dma_wait3A_730, %dma_wait3A_731] : memref<640x64xf32, #tpu.memory_space<vmem>> -> memref<128x64xf32, #tpu.memory_space<vmem>>
      %dma_wait3A_733 = arith.constant 0 : i32
      %dma_wait3A_734 = arith.constant 0 : i32
      %dma_wait3A_735 = tpu.memref_slice %arg5[%dma_wait3A_723, %dma_wait3A_733, %dma_wait3A_734] : memref<2x5x128xi32, #tpu.memory_space<vmem>> -> memref<1x5x128xi32, #tpu.memory_space<vmem>>
      %dma_wait3A_736 = tpu.memref_squeeze %dma_wait3A_735 : memref<1x5x128xi32, #tpu.memory_space<vmem>> -> memref<5x128xi32, #tpu.memory_space<vmem>>
      %dma_wait3A_737 = arith.constant 0 : i32
      %dma_wait3A_738 = tpu.memref_slice %dma_wait3A_736[%dma_wait3A_724, %dma_wait3A_737] : memref<5x128xi32, #tpu.memory_space<vmem>> -> memref<1x128xi32, #tpu.memory_space<vmem>>
      %dma_wait3A_739 = tpu.memref_squeeze %dma_wait3A_738 : memref<1x128xi32, #tpu.memory_space<vmem>> -> memref<128xi32, #tpu.memory_space<vmem>>
      %dma_wait3A_740 = arith.constant 0 : i32
      %dma_wait3A_741 = arith.constant 0 : i32
      %dma_wait3A_742 = tpu.memref_slice %arg3[%dma_wait3A_740, %dma_wait3A_741] : memref<1000000x64xf32, #tpu.memory_space<hbm>> -> memref<1000000x64xf32, #tpu.memory_space<hbm>>
      tpu.wait_indirect_dma semaphore(%arg11 : memref<!tpu.dma_semaphore, #tpu.memory_space<semaphore_mem>>) src(%dma_wait3A_742 : memref<1000000x64xf32, #tpu.memory_space<hbm>>) dst(%dma_wait3A_732 : memref<128x64xf32, #tpu.memory_space<vmem>>)
      %dma_wait3A_743 = arith.constant 0 : i32
      %dma_wait3A_744 = arith.constant 2 : i32
      %dma_wait3A_745 = arith.constant 0 : i32
      %dma_wait3A_746 = arith.constant 0 : i32
      %dma_wait3A_747 = arith.constant 0 : i32
      %dma_wait3A_748 = tpu.memref_slice %arg6[%dma_wait3A_745, %dma_wait3A_746, %dma_wait3A_747] : memref<2x640x64xf32, #tpu.memory_space<vmem>> -> memref<1x640x64xf32, #tpu.memory_space<vmem>>
      %dma_wait3A_749 = tpu.memref_squeeze %dma_wait3A_748 : memref<1x640x64xf32, #tpu.memory_space<vmem>> -> memref<640x64xf32, #tpu.memory_space<vmem>>
      %dma_wait3A_750 = arith.constant 256 : i32
      %dma_wait3A_751 = arith.constant 0 : i32
      %dma_wait3A_752 = tpu.memref_slice %dma_wait3A_749[%dma_wait3A_750, %dma_wait3A_751] : memref<640x64xf32, #tpu.memory_space<vmem>> -> memref<128x64xf32, #tpu.memory_space<vmem>>
      %dma_wait3A_753 = arith.constant 0 : i32
      %dma_wait3A_754 = arith.constant 0 : i32
      %dma_wait3A_755 = tpu.memref_slice %arg5[%dma_wait3A_743, %dma_wait3A_753, %dma_wait3A_754] : memref<2x5x128xi32, #tpu.memory_space<vmem>> -> memref<1x5x128xi32, #tpu.memory_space<vmem>>
      %dma_wait3A_756 = tpu.memref_squeeze %dma_wait3A_755 : memref<1x5x128xi32, #tpu.memory_space<vmem>> -> memref<5x128xi32, #tpu.memory_space<vmem>>
      %dma_wait3A_757 = arith.constant 0 : i32
      %dma_wait3A_758 = tpu.memref_slice %dma_wait3A_756[%dma_wait3A_744, %dma_wait3A_757] : memref<5x128xi32, #tpu.memory_space<vmem>> -> memref<1x128xi32, #tpu.memory_space<vmem>>
      %dma_wait3A_759 = tpu.memref_squeeze %dma_wait3A_758 : memref<1x128xi32, #tpu.memory_space<vmem>> -> memref<128xi32, #tpu.memory_space<vmem>>
      %dma_wait3A_760 = arith.constant 0 : i32
      %dma_wait3A_761 = arith.constant 0 : i32
      %dma_wait3A_762 = tpu.memref_slice %arg3[%dma_wait3A_760, %dma_wait3A_761] : memref<1000000x64xf32, #tpu.memory_space<hbm>> -> memref<1000000x64xf32, #tpu.memory_space<hbm>>
      tpu.wait_indirect_dma semaphore(%arg11 : memref<!tpu.dma_semaphore, #tpu.memory_space<semaphore_mem>>) src(%dma_wait3A_762 : memref<1000000x64xf32, #tpu.memory_space<hbm>>) dst(%dma_wait3A_752 : memref<128x64xf32, #tpu.memory_space<vmem>>)
      %dma_wait3A_763 = arith.constant 0 : i32
      %dma_wait3A_764 = arith.constant 3 : i32
      %dma_wait3A_765 = arith.constant 0 : i32
      %dma_wait3A_766 = arith.constant 0 : i32
      %dma_wait3A_767 = arith.constant 0 : i32
      %dma_wait3A_768 = tpu.memref_slice %arg6[%dma_wait3A_765, %dma_wait3A_766, %dma_wait3A_767] : memref<2x640x64xf32, #tpu.memory_space<vmem>> -> memref<1x640x64xf32, #tpu.memory_space<vmem>>
      %dma_wait3A_769 = tpu.memref_squeeze %dma_wait3A_768 : memref<1x640x64xf32, #tpu.memory_space<vmem>> -> memref<640x64xf32, #tpu.memory_space<vmem>>
      %dma_wait3A_770 = arith.constant 384 : i32
      %dma_wait3A_771 = arith.constant 0 : i32
      %dma_wait3A_772 = tpu.memref_slice %dma_wait3A_769[%dma_wait3A_770, %dma_wait3A_771] : memref<640x64xf32, #tpu.memory_space<vmem>> -> memref<128x64xf32, #tpu.memory_space<vmem>>
      %dma_wait3A_773 = arith.constant 0 : i32
      %dma_wait3A_774 = arith.constant 0 : i32
      %dma_wait3A_775 = tpu.memref_slice %arg5[%dma_wait3A_763, %dma_wait3A_773, %dma_wait3A_774] : memref<2x5x128xi32, #tpu.memory_space<vmem>> -> memref<1x5x128xi32, #tpu.memory_space<vmem>>
      %dma_wait3A_776 = tpu.memref_squeeze %dma_wait3A_775 : memref<1x5x128xi32, #tpu.memory_space<vmem>> -> memref<5x128xi32, #tpu.memory_space<vmem>>
      %dma_wait3A_777 = arith.constant 0 : i32
      %dma_wait3A_778 = tpu.memref_slice %dma_wait3A_776[%dma_wait3A_764, %dma_wait3A_777] : memref<5x128xi32, #tpu.memory_space<vmem>> -> memref<1x128xi32, #tpu.memory_space<vmem>>
      %dma_wait3A_779 = tpu.memref_squeeze %dma_wait3A_778 : memref<1x128xi32, #tpu.memory_space<vmem>> -> memref<128xi32, #tpu.memory_space<vmem>>
      %dma_wait3A_780 = arith.constant 0 : i32
      %dma_wait3A_781 = arith.constant 0 : i32
      %dma_wait3A_782 = tpu.memref_slice %arg3[%dma_wait3A_780, %dma_wait3A_781] : memref<1000000x64xf32, #tpu.memory_space<hbm>> -> memref<1000000x64xf32, #tpu.memory_space<hbm>>
      tpu.wait_indirect_dma semaphore(%arg11 : memref<!tpu.dma_semaphore, #tpu.memory_space<semaphore_mem>>) src(%dma_wait3A_782 : memref<1000000x64xf32, #tpu.memory_space<hbm>>) dst(%dma_wait3A_772 : memref<128x64xf32, #tpu.memory_space<vmem>>)
      %dma_wait3A_783 = arith.constant 0 : i32
      %dma_wait3A_784 = arith.constant 4 : i32
      %dma_wait3A_785 = arith.constant 0 : i32
      %dma_wait3A_786 = arith.constant 0 : i32
      %dma_wait3A_787 = arith.constant 0 : i32
      %dma_wait3A_788 = tpu.memref_slice %arg6[%dma_wait3A_785, %dma_wait3A_786, %dma_wait3A_787] : memref<2x640x64xf32, #tpu.memory_space<vmem>> -> memref<1x640x64xf32, #tpu.memory_space<vmem>>
      %dma_wait3A_789 = tpu.memref_squeeze %dma_wait3A_788 : memref<1x640x64xf32, #tpu.memory_space<vmem>> -> memref<640x64xf32, #tpu.memory_space<vmem>>
      %dma_wait3A_790 = arith.constant 512 : i32
      %dma_wait3A_791 = arith.constant 0 : i32
      %dma_wait3A_792 = tpu.memref_slice %dma_wait3A_789[%dma_wait3A_790, %dma_wait3A_791] : memref<640x64xf32, #tpu.memory_space<vmem>> -> memref<128x64xf32, #tpu.memory_space<vmem>>
      %dma_wait3A_793 = arith.constant 0 : i32
      %dma_wait3A_794 = arith.constant 0 : i32
      %dma_wait3A_795 = tpu.memref_slice %arg5[%dma_wait3A_783, %dma_wait3A_793, %dma_wait3A_794] : memref<2x5x128xi32, #tpu.memory_space<vmem>> -> memref<1x5x128xi32, #tpu.memory_space<vmem>>
      %dma_wait3A_796 = tpu.memref_squeeze %dma_wait3A_795 : memref<1x5x128xi32, #tpu.memory_space<vmem>> -> memref<5x128xi32, #tpu.memory_space<vmem>>
      %dma_wait3A_797 = arith.constant 0 : i32
      %dma_wait3A_798 = tpu.memref_slice %dma_wait3A_796[%dma_wait3A_784, %dma_wait3A_797] : memref<5x128xi32, #tpu.memory_space<vmem>> -> memref<1x128xi32, #tpu.memory_space<vmem>>
      %dma_wait3A_799 = tpu.memref_squeeze %dma_wait3A_798 : memref<1x128xi32, #tpu.memory_space<vmem>> -> memref<128xi32, #tpu.memory_space<vmem>>
      %dma_wait3A_800 = arith.constant 0 : i32
      %dma_wait3A_801 = arith.constant 0 : i32
      %dma_wait3A_802 = tpu.memref_slice %arg3[%dma_wait3A_800, %dma_wait3A_801] : memref<1000000x64xf32, #tpu.memory_space<hbm>> -> memref<1000000x64xf32, #tpu.memory_space<hbm>>
      tpu.wait_indirect_dma semaphore(%arg11 : memref<!tpu.dma_semaphore, #tpu.memory_space<semaphore_mem>>) src(%dma_wait3A_802 : memref<1000000x64xf32, #tpu.memory_space<hbm>>) dst(%dma_wait3A_792 : memref<128x64xf32, #tpu.memory_space<vmem>>)
      %mul3A_803 = arith.constant 640 : i32
      %mul3A_804 = arith.muli %add3A_554, %mul3A_803 : i32
      %add3A_805 = arith.addi %mul3A_6, %mul3A_804 : i32
      %dma_start3A_806 = arith.constant 0 : i32
      %dma_start3A_807 = arith.constant 0 : i32
      %dma_start3A_808 = arith.constant 0 : i32
      %dma_start3A_809 = tpu.memref_slice %arg6[%dma_start3A_806, %dma_start3A_807, %dma_start3A_808] : memref<2x640x64xf32, #tpu.memory_space<vmem>> -> memref<1x640x64xf32, #tpu.memory_space<vmem>>
      %dma_start3A_810 = tpu.memref_squeeze %dma_start3A_809 : memref<1x640x64xf32, #tpu.memory_space<vmem>> -> memref<640x64xf32, #tpu.memory_space<vmem>>
      %dma_start3A_811 = arith.constant 0 : i32
      %dma_start3A_812 = tpu.memref_slice %arg4[%add3A_805, %dma_start3A_811] : memref<819200x64xf32, #tpu.memory_space<hbm>> -> memref<640x64xf32, #tpu.memory_space<hbm>>
      %dma_start3A_813 = arith.constant 0 : i32
      %dma_start3A_814 = tpu.memref_slice %arg4[%add3A_805, %dma_start3A_813] : memref<819200x64xf32, #tpu.memory_space<hbm>> -> memref<640x64xf32, #tpu.memory_space<hbm>>
      %dma_start3A_815 = arith.constant 0 : i32
      %dma_start3A_816 = arith.constant 0 : i32
      %dma_start3A_817 = tpu.memref_slice %arg6[%dma_start3A_806, %dma_start3A_815, %dma_start3A_816] : memref<2x640x64xf32, #tpu.memory_space<vmem>> -> memref<1x640x64xf32, #tpu.memory_space<vmem>>
      %dma_start3A_818 = tpu.memref_squeeze %dma_start3A_817 : memref<1x640x64xf32, #tpu.memory_space<vmem>> -> memref<640x64xf32, #tpu.memory_space<vmem>>
      tpu.enqueue_dma source(%dma_start3A_818 : memref<640x64xf32, #tpu.memory_space<vmem>>) target(%dma_start3A_814 : memref<640x64xf32, #tpu.memory_space<hbm>>) target_semaphore(%arg9 : memref<!tpu.dma_semaphore, #tpu.memory_space<semaphore_mem>>)
      %mul3A_819 = arith.constant 2 : i32
      %mul3A_820 = arith.muli %mul3A_819, %scan3A_550 : i32
      %add3A_821 = arith.constant 1 : i32
      %add3A_822 = arith.addi %mul3A_820, %add3A_821 : i32
      %mul3A_823 = arith.constant 5 : i32
      %mul3A_824 = arith.muli %add3A_822, %mul3A_823 : i32
      %add3A_825 = arith.addi %mul3A_2, %mul3A_824 : i32
      %dma_wait3A_826 = arith.constant 1 : i32
      %dma_wait3A_827 = arith.constant 0 : i32
      %dma_wait3A_828 = arith.constant 0 : i32
      %dma_wait3A_829 = tpu.memref_slice %arg5[%dma_wait3A_826, %dma_wait3A_827, %dma_wait3A_828] : memref<2x5x128xi32, #tpu.memory_space<vmem>> -> memref<1x5x128xi32, #tpu.memory_space<vmem>>
      %dma_wait3A_830 = tpu.memref_squeeze %dma_wait3A_829 : memref<1x5x128xi32, #tpu.memory_space<vmem>> -> memref<5x128xi32, #tpu.memory_space<vmem>>
      %dma_wait3A_831 = arith.constant 0 : i32
      %dma_wait3A_832 = tpu.memref_slice %arg2[%add3A_825, %dma_wait3A_831] : memref<6400x128xi32, #tpu.memory_space<hbm>> -> memref<5x128xi32, #tpu.memory_space<hbm>>
      %dma_wait3A_833 = arith.constant 0 : i32
      %dma_wait3A_834 = arith.constant 0 : i32
      %dma_wait3A_835 = tpu.memref_slice %arg5[%dma_wait3A_826, %dma_wait3A_833, %dma_wait3A_834] : memref<2x5x128xi32, #tpu.memory_space<vmem>> -> memref<1x5x128xi32, #tpu.memory_space<vmem>>
      %dma_wait3A_836 = tpu.memref_squeeze %dma_wait3A_835 : memref<1x5x128xi32, #tpu.memory_space<vmem>> -> memref<5x128xi32, #tpu.memory_space<vmem>>
      %dma_wait3A_837 = arith.constant 0 : i32
      %dma_wait3A_838 = tpu.memref_slice %arg2[%add3A_825, %dma_wait3A_837] : memref<6400x128xi32, #tpu.memory_space<hbm>> -> memref<5x128xi32, #tpu.memory_space<hbm>>
      tpu.wait_dma2 semaphore(%arg8 : memref<!tpu.dma_semaphore, #tpu.memory_space<semaphore_mem>>) src(%dma_wait3A_838 : memref<5x128xi32, #tpu.memory_space<hbm>>) dst(%dma_wait3A_836 : memref<5x128xi32, #tpu.memory_space<vmem>>)
      %dma_wait3A_839 = arith.constant 1 : i32
      %dma_wait3A_840 = arith.constant 0 : i32
      %dma_wait3A_841 = arith.constant 0 : i32
      %dma_wait3A_842 = tpu.memref_slice %arg6[%dma_wait3A_839, %dma_wait3A_840, %dma_wait3A_841] : memref<2x640x64xf32, #tpu.memory_space<vmem>> -> memref<1x640x64xf32, #tpu.memory_space<vmem>>
      %dma_wait3A_843 = tpu.memref_squeeze %dma_wait3A_842 : memref<1x640x64xf32, #tpu.memory_space<vmem>> -> memref<640x64xf32, #tpu.memory_space<vmem>>
      %dma_wait3A_844 = arith.constant 0 : i32
      %dma_wait3A_845 = tpu.memref_slice %arg4[%mul3A_6, %dma_wait3A_844] : memref<819200x64xf32, #tpu.memory_space<hbm>> -> memref<640x64xf32, #tpu.memory_space<hbm>>
      %dma_wait3A_846 = arith.constant 0 : i32
      %dma_wait3A_847 = tpu.memref_slice %arg4[%mul3A_6, %dma_wait3A_846] : memref<819200x64xf32, #tpu.memory_space<hbm>> -> memref<640x64xf32, #tpu.memory_space<hbm>>
      %dma_wait3A_848 = arith.constant 0 : i32
      %dma_wait3A_849 = arith.constant 0 : i32
      %dma_wait3A_850 = tpu.memref_slice %arg6[%dma_wait3A_839, %dma_wait3A_848, %dma_wait3A_849] : memref<2x640x64xf32, #tpu.memory_space<vmem>> -> memref<1x640x64xf32, #tpu.memory_space<vmem>>
      %dma_wait3A_851 = tpu.memref_squeeze %dma_wait3A_850 : memref<1x640x64xf32, #tpu.memory_space<vmem>> -> memref<640x64xf32, #tpu.memory_space<vmem>>
      tpu.wait_dma2 semaphore(%arg10 : memref<!tpu.dma_semaphore, #tpu.memory_space<semaphore_mem>>) src(%dma_wait3A_851 : memref<640x64xf32, #tpu.memory_space<vmem>>) dst(%dma_wait3A_847 : memref<640x64xf32, #tpu.memory_space<hbm>>)
      %dma_start3A_852 = arith.constant 1 : i32
      %dma_start3A_853 = arith.constant 0 : i32
      %dma_start3A_854 = arith.constant 1 : i32
      %dma_start3A_855 = arith.constant 0 : i32
      %dma_start3A_856 = arith.constant 0 : i32
      %dma_start3A_857 = tpu.memref_slice %arg6[%dma_start3A_854, %dma_start3A_855, %dma_start3A_856] : memref<2x640x64xf32, #tpu.memory_space<vmem>> -> memref<1x640x64xf32, #tpu.memory_space<vmem>>
      %dma_start3A_858 = tpu.memref_squeeze %dma_start3A_857 : memref<1x640x64xf32, #tpu.memory_space<vmem>> -> memref<640x64xf32, #tpu.memory_space<vmem>>
      %dma_start3A_859 = arith.constant 0 : i32
      %dma_start3A_860 = arith.constant 0 : i32
      %dma_start3A_861 = tpu.memref_slice %dma_start3A_858[%dma_start3A_859, %dma_start3A_860] : memref<640x64xf32, #tpu.memory_space<vmem>> -> memref<128x64xf32, #tpu.memory_space<vmem>>
      %dma_start3A_862 = arith.constant 0 : i32
      %dma_start3A_863 = arith.constant 0 : i32
      %dma_start3A_864 = tpu.memref_slice %arg5[%dma_start3A_852, %dma_start3A_862, %dma_start3A_863] : memref<2x5x128xi32, #tpu.memory_space<vmem>> -> memref<1x5x128xi32, #tpu.memory_space<vmem>>
      %dma_start3A_865 = tpu.memref_squeeze %dma_start3A_864 : memref<1x5x128xi32, #tpu.memory_space<vmem>> -> memref<5x128xi32, #tpu.memory_space<vmem>>
      %dma_start3A_866 = arith.constant 0 : i32
      %dma_start3A_867 = tpu.memref_slice %dma_start3A_865[%dma_start3A_853, %dma_start3A_866] : memref<5x128xi32, #tpu.memory_space<vmem>> -> memref<1x128xi32, #tpu.memory_space<vmem>>
      %dma_start3A_868 = tpu.memref_squeeze %dma_start3A_867 : memref<1x128xi32, #tpu.memory_space<vmem>> -> memref<128xi32, #tpu.memory_space<vmem>>
      %dma_start3A_869 = arith.constant 0 : i32
      %dma_start3A_870 = arith.constant 0 : i32
      %dma_start3A_871 = tpu.memref_slice %arg3[%dma_start3A_869, %dma_start3A_870] : memref<1000000x64xf32, #tpu.memory_space<hbm>> -> memref<1000000x64xf32, #tpu.memory_space<hbm>>
      tpu.enqueue_indirect_dma source(%dma_start3A_871 : memref<1000000x64xf32, #tpu.memory_space<hbm>>) target(%dma_start3A_861 : memref<128x64xf32, #tpu.memory_space<vmem>>) offsets(%dma_start3A_868 : memref<128xi32, #tpu.memory_space<vmem>>) semaphore(%arg11 : memref<!tpu.dma_semaphore, #tpu.memory_space<semaphore_mem>>)
      %dma_start3A_872 = arith.constant 1 : i32
      %dma_start3A_873 = arith.constant 1 : i32
      %dma_start3A_874 = arith.constant 1 : i32
      %dma_start3A_875 = arith.constant 0 : i32
      %dma_start3A_876 = arith.constant 0 : i32
      %dma_start3A_877 = tpu.memref_slice %arg6[%dma_start3A_874, %dma_start3A_875, %dma_start3A_876] : memref<2x640x64xf32, #tpu.memory_space<vmem>> -> memref<1x640x64xf32, #tpu.memory_space<vmem>>
      %dma_start3A_878 = tpu.memref_squeeze %dma_start3A_877 : memref<1x640x64xf32, #tpu.memory_space<vmem>> -> memref<640x64xf32, #tpu.memory_space<vmem>>
      %dma_start3A_879 = arith.constant 128 : i32
      %dma_start3A_880 = arith.constant 0 : i32
      %dma_start3A_881 = tpu.memref_slice %dma_start3A_878[%dma_start3A_879, %dma_start3A_880] : memref<640x64xf32, #tpu.memory_space<vmem>> -> memref<128x64xf32, #tpu.memory_space<vmem>>
      %dma_start3A_882 = arith.constant 0 : i32
      %dma_start3A_883 = arith.constant 0 : i32
      %dma_start3A_884 = tpu.memref_slice %arg5[%dma_start3A_872, %dma_start3A_882, %dma_start3A_883] : memref<2x5x128xi32, #tpu.memory_space<vmem>> -> memref<1x5x128xi32, #tpu.memory_space<vmem>>
      %dma_start3A_885 = tpu.memref_squeeze %dma_start3A_884 : memref<1x5x128xi32, #tpu.memory_space<vmem>> -> memref<5x128xi32, #tpu.memory_space<vmem>>
      %dma_start3A_886 = arith.constant 0 : i32
      %dma_start3A_887 = tpu.memref_slice %dma_start3A_885[%dma_start3A_873, %dma_start3A_886] : memref<5x128xi32, #tpu.memory_space<vmem>> -> memref<1x128xi32, #tpu.memory_space<vmem>>
      %dma_start3A_888 = tpu.memref_squeeze %dma_start3A_887 : memref<1x128xi32, #tpu.memory_space<vmem>> -> memref<128xi32, #tpu.memory_space<vmem>>
      %dma_start3A_889 = arith.constant 0 : i32
      %dma_start3A_890 = arith.constant 0 : i32
      %dma_start3A_891 = tpu.memref_slice %arg3[%dma_start3A_889, %dma_start3A_890] : memref<1000000x64xf32, #tpu.memory_space<hbm>> -> memref<1000000x64xf32, #tpu.memory_space<hbm>>
      tpu.enqueue_indirect_dma source(%dma_start3A_891 : memref<1000000x64xf32, #tpu.memory_space<hbm>>) target(%dma_start3A_881 : memref<128x64xf32, #tpu.memory_space<vmem>>) offsets(%dma_start3A_888 : memref<128xi32, #tpu.memory_space<vmem>>) semaphore(%arg11 : memref<!tpu.dma_semaphore, #tpu.memory_space<semaphore_mem>>)
      %dma_start3A_892 = arith.constant 1 : i32
      %dma_start3A_893 = arith.constant 2 : i32
      %dma_start3A_894 = arith.constant 1 : i32
      %dma_start3A_895 = arith.constant 0 : i32
      %dma_start3A_896 = arith.constant 0 : i32
      %dma_start3A_897 = tpu.memref_slice %arg6[%dma_start3A_894, %dma_start3A_895, %dma_start3A_896] : memref<2x640x64xf32, #tpu.memory_space<vmem>> -> memref<1x640x64xf32, #tpu.memory_space<vmem>>
      %dma_start3A_898 = tpu.memref_squeeze %dma_start3A_897 : memref<1x640x64xf32, #tpu.memory_space<vmem>> -> memref<640x64xf32, #tpu.memory_space<vmem>>
      %dma_start3A_899 = arith.constant 256 : i32
      %dma_start3A_900 = arith.constant 0 : i32
      %dma_start3A_901 = tpu.memref_slice %dma_start3A_898[%dma_start3A_899, %dma_start3A_900] : memref<640x64xf32, #tpu.memory_space<vmem>> -> memref<128x64xf32, #tpu.memory_space<vmem>>
      %dma_start3A_902 = arith.constant 0 : i32
      %dma_start3A_903 = arith.constant 0 : i32
      %dma_start3A_904 = tpu.memref_slice %arg5[%dma_start3A_892, %dma_start3A_902, %dma_start3A_903] : memref<2x5x128xi32, #tpu.memory_space<vmem>> -> memref<1x5x128xi32, #tpu.memory_space<vmem>>
      %dma_start3A_905 = tpu.memref_squeeze %dma_start3A_904 : memref<1x5x128xi32, #tpu.memory_space<vmem>> -> memref<5x128xi32, #tpu.memory_space<vmem>>
      %dma_start3A_906 = arith.constant 0 : i32
      %dma_start3A_907 = tpu.memref_slice %dma_start3A_905[%dma_start3A_893, %dma_start3A_906] : memref<5x128xi32, #tpu.memory_space<vmem>> -> memref<1x128xi32, #tpu.memory_space<vmem>>
      %dma_start3A_908 = tpu.memref_squeeze %dma_start3A_907 : memref<1x128xi32, #tpu.memory_space<vmem>> -> memref<128xi32, #tpu.memory_space<vmem>>
      %dma_start3A_909 = arith.constant 0 : i32
      %dma_start3A_910 = arith.constant 0 : i32
      %dma_start3A_911 = tpu.memref_slice %arg3[%dma_start3A_909, %dma_start3A_910] : memref<1000000x64xf32, #tpu.memory_space<hbm>> -> memref<1000000x64xf32, #tpu.memory_space<hbm>>
      tpu.enqueue_indirect_dma source(%dma_start3A_911 : memref<1000000x64xf32, #tpu.memory_space<hbm>>) target(%dma_start3A_901 : memref<128x64xf32, #tpu.memory_space<vmem>>) offsets(%dma_start3A_908 : memref<128xi32, #tpu.memory_space<vmem>>) semaphore(%arg11 : memref<!tpu.dma_semaphore, #tpu.memory_space<semaphore_mem>>)
      %dma_start3A_912 = arith.constant 1 : i32
      %dma_start3A_913 = arith.constant 3 : i32
      %dma_start3A_914 = arith.constant 1 : i32
      %dma_start3A_915 = arith.constant 0 : i32
      %dma_start3A_916 = arith.constant 0 : i32
      %dma_start3A_917 = tpu.memref_slice %arg6[%dma_start3A_914, %dma_start3A_915, %dma_start3A_916] : memref<2x640x64xf32, #tpu.memory_space<vmem>> -> memref<1x640x64xf32, #tpu.memory_space<vmem>>
      %dma_start3A_918 = tpu.memref_squeeze %dma_start3A_917 : memref<1x640x64xf32, #tpu.memory_space<vmem>> -> memref<640x64xf32, #tpu.memory_space<vmem>>
      %dma_start3A_919 = arith.constant 384 : i32
      %dma_start3A_920 = arith.constant 0 : i32
      %dma_start3A_921 = tpu.memref_slice %dma_start3A_918[%dma_start3A_919, %dma_start3A_920] : memref<640x64xf32, #tpu.memory_space<vmem>> -> memref<128x64xf32, #tpu.memory_space<vmem>>
      %dma_start3A_922 = arith.constant 0 : i32
      %dma_start3A_923 = arith.constant 0 : i32
      %dma_start3A_924 = tpu.memref_slice %arg5[%dma_start3A_912, %dma_start3A_922, %dma_start3A_923] : memref<2x5x128xi32, #tpu.memory_space<vmem>> -> memref<1x5x128xi32, #tpu.memory_space<vmem>>
      %dma_start3A_925 = tpu.memref_squeeze %dma_start3A_924 : memref<1x5x128xi32, #tpu.memory_space<vmem>> -> memref<5x128xi32, #tpu.memory_space<vmem>>
      %dma_start3A_926 = arith.constant 0 : i32
      %dma_start3A_927 = tpu.memref_slice %dma_start3A_925[%dma_start3A_913, %dma_start3A_926] : memref<5x128xi32, #tpu.memory_space<vmem>> -> memref<1x128xi32, #tpu.memory_space<vmem>>
      %dma_start3A_928 = tpu.memref_squeeze %dma_start3A_927 : memref<1x128xi32, #tpu.memory_space<vmem>> -> memref<128xi32, #tpu.memory_space<vmem>>
      %dma_start3A_929 = arith.constant 0 : i32
      %dma_start3A_930 = arith.constant 0 : i32
      %dma_start3A_931 = tpu.memref_slice %arg3[%dma_start3A_929, %dma_start3A_930] : memref<1000000x64xf32, #tpu.memory_space<hbm>> -> memref<1000000x64xf32, #tpu.memory_space<hbm>>
      tpu.enqueue_indirect_dma source(%dma_start3A_931 : memref<1000000x64xf32, #tpu.memory_space<hbm>>) target(%dma_start3A_921 : memref<128x64xf32, #tpu.memory_space<vmem>>) offsets(%dma_start3A_928 : memref<128xi32, #tpu.memory_space<vmem>>) semaphore(%arg11 : memref<!tpu.dma_semaphore, #tpu.memory_space<semaphore_mem>>)
      %dma_start3A_932 = arith.constant 1 : i32
      %dma_start3A_933 = arith.constant 4 : i32
      %dma_start3A_934 = arith.constant 1 : i32
      %dma_start3A_935 = arith.constant 0 : i32
      %dma_start3A_936 = arith.constant 0 : i32
      %dma_start3A_937 = tpu.memref_slice %arg6[%dma_start3A_934, %dma_start3A_935, %dma_start3A_936] : memref<2x640x64xf32, #tpu.memory_space<vmem>> -> memref<1x640x64xf32, #tpu.memory_space<vmem>>
      %dma_start3A_938 = tpu.memref_squeeze %dma_start3A_937 : memref<1x640x64xf32, #tpu.memory_space<vmem>> -> memref<640x64xf32, #tpu.memory_space<vmem>>
      %dma_start3A_939 = arith.constant 512 : i32
      %dma_start3A_940 = arith.constant 0 : i32
      %dma_start3A_941 = tpu.memref_slice %dma_start3A_938[%dma_start3A_939, %dma_start3A_940] : memref<640x64xf32, #tpu.memory_space<vmem>> -> memref<128x64xf32, #tpu.memory_space<vmem>>
      %dma_start3A_942 = arith.constant 0 : i32
      %dma_start3A_943 = arith.constant 0 : i32
      %dma_start3A_944 = tpu.memref_slice %arg5[%dma_start3A_932, %dma_start3A_942, %dma_start3A_943] : memref<2x5x128xi32, #tpu.memory_space<vmem>> -> memref<1x5x128xi32, #tpu.memory_space<vmem>>
      %dma_start3A_945 = tpu.memref_squeeze %dma_start3A_944 : memref<1x5x128xi32, #tpu.memory_space<vmem>> -> memref<5x128xi32, #tpu.memory_space<vmem>>
      %dma_start3A_946 = arith.constant 0 : i32
      %dma_start3A_947 = tpu.memref_slice %dma_start3A_945[%dma_start3A_933, %dma_start3A_946] : memref<5x128xi32, #tpu.memory_space<vmem>> -> memref<1x128xi32, #tpu.memory_space<vmem>>
      %dma_start3A_948 = tpu.memref_squeeze %dma_start3A_947 : memref<1x128xi32, #tpu.memory_space<vmem>> -> memref<128xi32, #tpu.memory_space<vmem>>
      %dma_start3A_949 = arith.constant 0 : i32
      %dma_start3A_950 = arith.constant 0 : i32
      %dma_start3A_951 = tpu.memref_slice %arg3[%dma_start3A_949, %dma_start3A_950] : memref<1000000x64xf32, #tpu.memory_space<hbm>> -> memref<1000000x64xf32, #tpu.memory_space<hbm>>
      tpu.enqueue_indirect_dma source(%dma_start3A_951 : memref<1000000x64xf32, #tpu.memory_space<hbm>>) target(%dma_start3A_941 : memref<128x64xf32, #tpu.memory_space<vmem>>) offsets(%dma_start3A_948 : memref<128xi32, #tpu.memory_space<vmem>>) semaphore(%arg11 : memref<!tpu.dma_semaphore, #tpu.memory_space<semaphore_mem>>)
      %add3A_952 = arith.constant 1 : i32
      %add3A_953 = arith.addi %add3A_822, %add3A_952 : i32
      %rem3A_954 = arith.constant 40 : i32
      %rem3A_955 = arith.remsi %add3A_953, %rem3A_954 : i32
      %mul3A_956 = arith.constant 5 : i32
      %mul3A_957 = arith.muli %rem3A_955, %mul3A_956 : i32
      %add3A_958 = arith.addi %mul3A_2, %mul3A_957 : i32
      %dma_start3A_959 = arith.constant 0 : i32
      %dma_start3A_960 = arith.constant 0 : i32
      %dma_start3A_961 = arith.constant 0 : i32
      %dma_start3A_962 = tpu.memref_slice %arg5[%dma_start3A_959, %dma_start3A_960, %dma_start3A_961] : memref<2x5x128xi32, #tpu.memory_space<vmem>> -> memref<1x5x128xi32, #tpu.memory_space<vmem>>
      %dma_start3A_963 = tpu.memref_squeeze %dma_start3A_962 : memref<1x5x128xi32, #tpu.memory_space<vmem>> -> memref<5x128xi32, #tpu.memory_space<vmem>>
      %dma_start3A_964 = arith.constant 0 : i32
      %dma_start3A_965 = tpu.memref_slice %arg2[%add3A_958, %dma_start3A_964] : memref<6400x128xi32, #tpu.memory_space<hbm>> -> memref<5x128xi32, #tpu.memory_space<hbm>>
      %dma_start3A_966 = arith.constant 0 : i32
      %dma_start3A_967 = arith.constant 0 : i32
      %dma_start3A_968 = tpu.memref_slice %arg5[%dma_start3A_959, %dma_start3A_966, %dma_start3A_967] : memref<2x5x128xi32, #tpu.memory_space<vmem>> -> memref<1x5x128xi32, #tpu.memory_space<vmem>>
      %dma_start3A_969 = tpu.memref_squeeze %dma_start3A_968 : memref<1x5x128xi32, #tpu.memory_space<vmem>> -> memref<5x128xi32, #tpu.memory_space<vmem>>
      %dma_start3A_970 = arith.constant 0 : i32
      %dma_start3A_971 = tpu.memref_slice %arg2[%add3A_958, %dma_start3A_970] : memref<6400x128xi32, #tpu.memory_space<hbm>> -> memref<5x128xi32, #tpu.memory_space<hbm>>
      tpu.enqueue_dma source(%dma_start3A_971 : memref<5x128xi32, #tpu.memory_space<hbm>>) target(%dma_start3A_969 : memref<5x128xi32, #tpu.memory_space<vmem>>) target_semaphore(%arg7 : memref<!tpu.dma_semaphore, #tpu.memory_space<semaphore_mem>>)
      %dma_wait3A_972 = arith.constant 1 : i32
      %dma_wait3A_973 = arith.constant 0 : i32
      %dma_wait3A_974 = arith.constant 1 : i32
      %dma_wait3A_975 = arith.constant 0 : i32
      %dma_wait3A_976 = arith.constant 0 : i32
      %dma_wait3A_977 = tpu.memref_slice %arg6[%dma_wait3A_974, %dma_wait3A_975, %dma_wait3A_976] : memref<2x640x64xf32, #tpu.memory_space<vmem>> -> memref<1x640x64xf32, #tpu.memory_space<vmem>>
      %dma_wait3A_978 = tpu.memref_squeeze %dma_wait3A_977 : memref<1x640x64xf32, #tpu.memory_space<vmem>> -> memref<640x64xf32, #tpu.memory_space<vmem>>
      %dma_wait3A_979 = arith.constant 0 : i32
      %dma_wait3A_980 = arith.constant 0 : i32
      %dma_wait3A_981 = tpu.memref_slice %dma_wait3A_978[%dma_wait3A_979, %dma_wait3A_980] : memref<640x64xf32, #tpu.memory_space<vmem>> -> memref<128x64xf32, #tpu.memory_space<vmem>>
      %dma_wait3A_982 = arith.constant 0 : i32
      %dma_wait3A_983 = arith.constant 0 : i32
      %dma_wait3A_984 = tpu.memref_slice %arg5[%dma_wait3A_972, %dma_wait3A_982, %dma_wait3A_983] : memref<2x5x128xi32, #tpu.memory_space<vmem>> -> memref<1x5x128xi32, #tpu.memory_space<vmem>>
      %dma_wait3A_985 = tpu.memref_squeeze %dma_wait3A_984 : memref<1x5x128xi32, #tpu.memory_space<vmem>> -> memref<5x128xi32, #tpu.memory_space<vmem>>
      %dma_wait3A_986 = arith.constant 0 : i32
      %dma_wait3A_987 = tpu.memref_slice %dma_wait3A_985[%dma_wait3A_973, %dma_wait3A_986] : memref<5x128xi32, #tpu.memory_space<vmem>> -> memref<1x128xi32, #tpu.memory_space<vmem>>
      %dma_wait3A_988 = tpu.memref_squeeze %dma_wait3A_987 : memref<1x128xi32, #tpu.memory_space<vmem>> -> memref<128xi32, #tpu.memory_space<vmem>>
      %dma_wait3A_989 = arith.constant 0 : i32
      %dma_wait3A_990 = arith.constant 0 : i32
      %dma_wait3A_991 = tpu.memref_slice %arg3[%dma_wait3A_989, %dma_wait3A_990] : memref<1000000x64xf32, #tpu.memory_space<hbm>> -> memref<1000000x64xf32, #tpu.memory_space<hbm>>
      tpu.wait_indirect_dma semaphore(%arg11 : memref<!tpu.dma_semaphore, #tpu.memory_space<semaphore_mem>>) src(%dma_wait3A_991 : memref<1000000x64xf32, #tpu.memory_space<hbm>>) dst(%dma_wait3A_981 : memref<128x64xf32, #tpu.memory_space<vmem>>)
      %dma_wait3A_992 = arith.constant 1 : i32
      %dma_wait3A_993 = arith.constant 1 : i32
      %dma_wait3A_994 = arith.constant 1 : i32
      %dma_wait3A_995 = arith.constant 0 : i32
      %dma_wait3A_996 = arith.constant 0 : i32
      %dma_wait3A_997 = tpu.memref_slice %arg6[%dma_wait3A_994, %dma_wait3A_995, %dma_wait3A_996] : memref<2x640x64xf32, #tpu.memory_space<vmem>> -> memref<1x640x64xf32, #tpu.memory_space<vmem>>
      %dma_wait3A_998 = tpu.memref_squeeze %dma_wait3A_997 : memref<1x640x64xf32, #tpu.memory_space<vmem>> -> memref<640x64xf32, #tpu.memory_space<vmem>>
      %dma_wait3A_999 = arith.constant 128 : i32
      %dma_wait3A_1000 = arith.constant 0 : i32
      %dma_wait3A_1001 = tpu.memref_slice %dma_wait3A_998[%dma_wait3A_999, %dma_wait3A_1000] : memref<640x64xf32, #tpu.memory_space<vmem>> -> memref<128x64xf32, #tpu.memory_space<vmem>>
      %dma_wait3A_1002 = arith.constant 0 : i32
      %dma_wait3A_1003 = arith.constant 0 : i32
      %dma_wait3A_1004 = tpu.memref_slice %arg5[%dma_wait3A_992, %dma_wait3A_1002, %dma_wait3A_1003] : memref<2x5x128xi32, #tpu.memory_space<vmem>> -> memref<1x5x128xi32, #tpu.memory_space<vmem>>
      %dma_wait3A_1005 = tpu.memref_squeeze %dma_wait3A_1004 : memref<1x5x128xi32, #tpu.memory_space<vmem>> -> memref<5x128xi32, #tpu.memory_space<vmem>>
      %dma_wait3A_1006 = arith.constant 0 : i32
      %dma_wait3A_1007 = tpu.memref_slice %dma_wait3A_1005[%dma_wait3A_993, %dma_wait3A_1006] : memref<5x128xi32, #tpu.memory_space<vmem>> -> memref<1x128xi32, #tpu.memory_space<vmem>>
      %dma_wait3A_1008 = tpu.memref_squeeze %dma_wait3A_1007 : memref<1x128xi32, #tpu.memory_space<vmem>> -> memref<128xi32, #tpu.memory_space<vmem>>
      %dma_wait3A_1009 = arith.constant 0 : i32
      %dma_wait3A_1010 = arith.constant 0 : i32
      %dma_wait3A_1011 = tpu.memref_slice %arg3[%dma_wait3A_1009, %dma_wait3A_1010] : memref<1000000x64xf32, #tpu.memory_space<hbm>> -> memref<1000000x64xf32, #tpu.memory_space<hbm>>
      tpu.wait_indirect_dma semaphore(%arg11 : memref<!tpu.dma_semaphore, #tpu.memory_space<semaphore_mem>>) src(%dma_wait3A_1011 : memref<1000000x64xf32, #tpu.memory_space<hbm>>) dst(%dma_wait3A_1001 : memref<128x64xf32, #tpu.memory_space<vmem>>)
      %dma_wait3A_1012 = arith.constant 1 : i32
      %dma_wait3A_1013 = arith.constant 2 : i32
      %dma_wait3A_1014 = arith.constant 1 : i32
      %dma_wait3A_1015 = arith.constant 0 : i32
      %dma_wait3A_1016 = arith.constant 0 : i32
      %dma_wait3A_1017 = tpu.memref_slice %arg6[%dma_wait3A_1014, %dma_wait3A_1015, %dma_wait3A_1016] : memref<2x640x64xf32, #tpu.memory_space<vmem>> -> memref<1x640x64xf32, #tpu.memory_space<vmem>>
      %dma_wait3A_1018 = tpu.memref_squeeze %dma_wait3A_1017 : memref<1x640x64xf32, #tpu.memory_space<vmem>> -> memref<640x64xf32, #tpu.memory_space<vmem>>
      %dma_wait3A_1019 = arith.constant 256 : i32
      %dma_wait3A_1020 = arith.constant 0 : i32
      %dma_wait3A_1021 = tpu.memref_slice %dma_wait3A_1018[%dma_wait3A_1019, %dma_wait3A_1020] : memref<640x64xf32, #tpu.memory_space<vmem>> -> memref<128x64xf32, #tpu.memory_space<vmem>>
      %dma_wait3A_1022 = arith.constant 0 : i32
      %dma_wait3A_1023 = arith.constant 0 : i32
      %dma_wait3A_1024 = tpu.memref_slice %arg5[%dma_wait3A_1012, %dma_wait3A_1022, %dma_wait3A_1023] : memref<2x5x128xi32, #tpu.memory_space<vmem>> -> memref<1x5x128xi32, #tpu.memory_space<vmem>>
      %dma_wait3A_1025 = tpu.memref_squeeze %dma_wait3A_1024 : memref<1x5x128xi32, #tpu.memory_space<vmem>> -> memref<5x128xi32, #tpu.memory_space<vmem>>
      %dma_wait3A_1026 = arith.constant 0 : i32
      %dma_wait3A_1027 = tpu.memref_slice %dma_wait3A_1025[%dma_wait3A_1013, %dma_wait3A_1026] : memref<5x128xi32, #tpu.memory_space<vmem>> -> memref<1x128xi32, #tpu.memory_space<vmem>>
      %dma_wait3A_1028 = tpu.memref_squeeze %dma_wait3A_1027 : memref<1x128xi32, #tpu.memory_space<vmem>> -> memref<128xi32, #tpu.memory_space<vmem>>
      %dma_wait3A_1029 = arith.constant 0 : i32
      %dma_wait3A_1030 = arith.constant 0 : i32
      %dma_wait3A_1031 = tpu.memref_slice %arg3[%dma_wait3A_1029, %dma_wait3A_1030] : memref<1000000x64xf32, #tpu.memory_space<hbm>> -> memref<1000000x64xf32, #tpu.memory_space<hbm>>
      tpu.wait_indirect_dma semaphore(%arg11 : memref<!tpu.dma_semaphore, #tpu.memory_space<semaphore_mem>>) src(%dma_wait3A_1031 : memref<1000000x64xf32, #tpu.memory_space<hbm>>) dst(%dma_wait3A_1021 : memref<128x64xf32, #tpu.memory_space<vmem>>)
      %dma_wait3A_1032 = arith.constant 1 : i32
      %dma_wait3A_1033 = arith.constant 3 : i32
      %dma_wait3A_1034 = arith.constant 1 : i32
      %dma_wait3A_1035 = arith.constant 0 : i32
      %dma_wait3A_1036 = arith.constant 0 : i32
      %dma_wait3A_1037 = tpu.memref_slice %arg6[%dma_wait3A_1034, %dma_wait3A_1035, %dma_wait3A_1036] : memref<2x640x64xf32, #tpu.memory_space<vmem>> -> memref<1x640x64xf32, #tpu.memory_space<vmem>>
      %dma_wait3A_1038 = tpu.memref_squeeze %dma_wait3A_1037 : memref<1x640x64xf32, #tpu.memory_space<vmem>> -> memref<640x64xf32, #tpu.memory_space<vmem>>
      %dma_wait3A_1039 = arith.constant 384 : i32
      %dma_wait3A_1040 = arith.constant 0 : i32
      %dma_wait3A_1041 = tpu.memref_slice %dma_wait3A_1038[%dma_wait3A_1039, %dma_wait3A_1040] : memref<640x64xf32, #tpu.memory_space<vmem>> -> memref<128x64xf32, #tpu.memory_space<vmem>>
      %dma_wait3A_1042 = arith.constant 0 : i32
      %dma_wait3A_1043 = arith.constant 0 : i32
      %dma_wait3A_1044 = tpu.memref_slice %arg5[%dma_wait3A_1032, %dma_wait3A_1042, %dma_wait3A_1043] : memref<2x5x128xi32, #tpu.memory_space<vmem>> -> memref<1x5x128xi32, #tpu.memory_space<vmem>>
      %dma_wait3A_1045 = tpu.memref_squeeze %dma_wait3A_1044 : memref<1x5x128xi32, #tpu.memory_space<vmem>> -> memref<5x128xi32, #tpu.memory_space<vmem>>
      %dma_wait3A_1046 = arith.constant 0 : i32
      %dma_wait3A_1047 = tpu.memref_slice %dma_wait3A_1045[%dma_wait3A_1033, %dma_wait3A_1046] : memref<5x128xi32, #tpu.memory_space<vmem>> -> memref<1x128xi32, #tpu.memory_space<vmem>>
      %dma_wait3A_1048 = tpu.memref_squeeze %dma_wait3A_1047 : memref<1x128xi32, #tpu.memory_space<vmem>> -> memref<128xi32, #tpu.memory_space<vmem>>
      %dma_wait3A_1049 = arith.constant 0 : i32
      %dma_wait3A_1050 = arith.constant 0 : i32
      %dma_wait3A_1051 = tpu.memref_slice %arg3[%dma_wait3A_1049, %dma_wait3A_1050] : memref<1000000x64xf32, #tpu.memory_space<hbm>> -> memref<1000000x64xf32, #tpu.memory_space<hbm>>
      tpu.wait_indirect_dma semaphore(%arg11 : memref<!tpu.dma_semaphore, #tpu.memory_space<semaphore_mem>>) src(%dma_wait3A_1051 : memref<1000000x64xf32, #tpu.memory_space<hbm>>) dst(%dma_wait3A_1041 : memref<128x64xf32, #tpu.memory_space<vmem>>)
      %dma_wait3A_1052 = arith.constant 1 : i32
      %dma_wait3A_1053 = arith.constant 4 : i32
      %dma_wait3A_1054 = arith.constant 1 : i32
      %dma_wait3A_1055 = arith.constant 0 : i32
      %dma_wait3A_1056 = arith.constant 0 : i32
      %dma_wait3A_1057 = tpu.memref_slice %arg6[%dma_wait3A_1054, %dma_wait3A_1055, %dma_wait3A_1056] : memref<2x640x64xf32, #tpu.memory_space<vmem>> -> memref<1x640x64xf32, #tpu.memory_space<vmem>>
      %dma_wait3A_1058 = tpu.memref_squeeze %dma_wait3A_1057 : memref<1x640x64xf32, #tpu.memory_space<vmem>> -> memref<640x64xf32, #tpu.memory_space<vmem>>
      %dma_wait3A_1059 = arith.constant 512 : i32
      %dma_wait3A_1060 = arith.constant 0 : i32
      %dma_wait3A_1061 = tpu.memref_slice %dma_wait3A_1058[%dma_wait3A_1059, %dma_wait3A_1060] : memref<640x64xf32, #tpu.memory_space<vmem>> -> memref<128x64xf32, #tpu.memory_space<vmem>>
      %dma_wait3A_1062 = arith.constant 0 : i32
      %dma_wait3A_1063 = arith.constant 0 : i32
      %dma_wait3A_1064 = tpu.memref_slice %arg5[%dma_wait3A_1052, %dma_wait3A_1062, %dma_wait3A_1063] : memref<2x5x128xi32, #tpu.memory_space<vmem>> -> memref<1x5x128xi32, #tpu.memory_space<vmem>>
      %dma_wait3A_1065 = tpu.memref_squeeze %dma_wait3A_1064 : memref<1x5x128xi32, #tpu.memory_space<vmem>> -> memref<5x128xi32, #tpu.memory_space<vmem>>
      %dma_wait3A_1066 = arith.constant 0 : i32
      %dma_wait3A_1067 = tpu.memref_slice %dma_wait3A_1065[%dma_wait3A_1053, %dma_wait3A_1066] : memref<5x128xi32, #tpu.memory_space<vmem>> -> memref<1x128xi32, #tpu.memory_space<vmem>>
      %dma_wait3A_1068 = tpu.memref_squeeze %dma_wait3A_1067 : memref<1x128xi32, #tpu.memory_space<vmem>> -> memref<128xi32, #tpu.memory_space<vmem>>
      %dma_wait3A_1069 = arith.constant 0 : i32
      %dma_wait3A_1070 = arith.constant 0 : i32
      %dma_wait3A_1071 = tpu.memref_slice %arg3[%dma_wait3A_1069, %dma_wait3A_1070] : memref<1000000x64xf32, #tpu.memory_space<hbm>> -> memref<1000000x64xf32, #tpu.memory_space<hbm>>
      tpu.wait_indirect_dma semaphore(%arg11 : memref<!tpu.dma_semaphore, #tpu.memory_space<semaphore_mem>>) src(%dma_wait3A_1071 : memref<1000000x64xf32, #tpu.memory_space<hbm>>) dst(%dma_wait3A_1061 : memref<128x64xf32, #tpu.memory_space<vmem>>)
      %mul3A_1072 = arith.constant 640 : i32
      %mul3A_1073 = arith.muli %add3A_822, %mul3A_1072 : i32
      %add3A_1074 = arith.addi %mul3A_6, %mul3A_1073 : i32
      %dma_start3A_1075 = arith.constant 1 : i32
      %dma_start3A_1076 = arith.constant 0 : i32
      %dma_start3A_1077 = arith.constant 0 : i32
      %dma_start3A_1078 = tpu.memref_slice %arg6[%dma_start3A_1075, %dma_start3A_1076, %dma_start3A_1077] : memref<2x640x64xf32, #tpu.memory_space<vmem>> -> memref<1x640x64xf32, #tpu.memory_space<vmem>>
      %dma_start3A_1079 = tpu.memref_squeeze %dma_start3A_1078 : memref<1x640x64xf32, #tpu.memory_space<vmem>> -> memref<640x64xf32, #tpu.memory_space<vmem>>
      %dma_start3A_1080 = arith.constant 0 : i32
      %dma_start3A_1081 = tpu.memref_slice %arg4[%add3A_1074, %dma_start3A_1080] : memref<819200x64xf32, #tpu.memory_space<hbm>> -> memref<640x64xf32, #tpu.memory_space<hbm>>
      %dma_start3A_1082 = arith.constant 0 : i32
      %dma_start3A_1083 = tpu.memref_slice %arg4[%add3A_1074, %dma_start3A_1082] : memref<819200x64xf32, #tpu.memory_space<hbm>> -> memref<640x64xf32, #tpu.memory_space<hbm>>
      %dma_start3A_1084 = arith.constant 0 : i32
      %dma_start3A_1085 = arith.constant 0 : i32
      %dma_start3A_1086 = tpu.memref_slice %arg6[%dma_start3A_1075, %dma_start3A_1084, %dma_start3A_1085] : memref<2x640x64xf32, #tpu.memory_space<vmem>> -> memref<1x640x64xf32, #tpu.memory_space<vmem>>
      %dma_start3A_1087 = tpu.memref_squeeze %dma_start3A_1086 : memref<1x640x64xf32, #tpu.memory_space<vmem>> -> memref<640x64xf32, #tpu.memory_space<vmem>>
      tpu.enqueue_dma source(%dma_start3A_1087 : memref<640x64xf32, #tpu.memory_space<vmem>>) target(%dma_start3A_1083 : memref<640x64xf32, #tpu.memory_space<hbm>>) target_semaphore(%arg10 : memref<!tpu.dma_semaphore, #tpu.memory_space<semaphore_mem>>)
    }
    %scan3A_510 = arith.constant 19 : i32
    %dma_wait3A_511 = arith.constant 0 : i32
    %dma_wait3A_512 = arith.constant 0 : i32
    %dma_wait3A_513 = arith.constant 0 : i32
    %dma_wait3A_514 = tpu.memref_slice %arg5[%dma_wait3A_511, %dma_wait3A_512, %dma_wait3A_513] : memref<2x5x128xi32, #tpu.memory_space<vmem>> -> memref<1x5x128xi32, #tpu.memory_space<vmem>>
    %dma_wait3A_515 = tpu.memref_squeeze %dma_wait3A_514 : memref<1x5x128xi32, #tpu.memory_space<vmem>> -> memref<5x128xi32, #tpu.memory_space<vmem>>
    %dma_wait3A_516 = arith.constant 0 : i32
    %dma_wait3A_517 = tpu.memref_slice %arg2[%mul3A_2, %dma_wait3A_516] : memref<6400x128xi32, #tpu.memory_space<hbm>> -> memref<5x128xi32, #tpu.memory_space<hbm>>
    %dma_wait3A_518 = arith.constant 0 : i32
    %dma_wait3A_519 = arith.constant 0 : i32
    %dma_wait3A_520 = tpu.memref_slice %arg5[%dma_wait3A_511, %dma_wait3A_518, %dma_wait3A_519] : memref<2x5x128xi32, #tpu.memory_space<vmem>> -> memref<1x5x128xi32, #tpu.memory_space<vmem>>
    %dma_wait3A_521 = tpu.memref_squeeze %dma_wait3A_520 : memref<1x5x128xi32, #tpu.memory_space<vmem>> -> memref<5x128xi32, #tpu.memory_space<vmem>>
    %dma_wait3A_522 = arith.constant 0 : i32
    %dma_wait3A_523 = tpu.memref_slice %arg2[%mul3A_2, %dma_wait3A_522] : memref<6400x128xi32, #tpu.memory_space<hbm>> -> memref<5x128xi32, #tpu.memory_space<hbm>>
    tpu.wait_dma2 semaphore(%arg7 : memref<!tpu.dma_semaphore, #tpu.memory_space<semaphore_mem>>) src(%dma_wait3A_523 : memref<5x128xi32, #tpu.memory_space<hbm>>) dst(%dma_wait3A_521 : memref<5x128xi32, #tpu.memory_space<vmem>>)
    %dma_wait3A_524 = arith.constant 0 : i32
    %dma_wait3A_525 = arith.constant 0 : i32
    %dma_wait3A_526 = arith.constant 0 : i32
    %dma_wait3A_527 = tpu.memref_slice %arg6[%dma_wait3A_524, %dma_wait3A_525, %dma_wait3A_526] : memref<2x640x64xf32, #tpu.memory_space<vmem>> -> memref<1x640x64xf32, #tpu.memory_space<vmem>>
    %dma_wait3A_528 = tpu.memref_squeeze %dma_wait3A_527 : memref<1x640x64xf32, #tpu.memory_space<vmem>> -> memref<640x64xf32, #tpu.memory_space<vmem>>
    %dma_wait3A_529 = arith.constant 0 : i32
    %dma_wait3A_530 = tpu.memref_slice %arg4[%mul3A_6, %dma_wait3A_529] : memref<819200x64xf32, #tpu.memory_space<hbm>> -> memref<640x64xf32, #tpu.memory_space<hbm>>
    %dma_wait3A_531 = arith.constant 0 : i32
    %dma_wait3A_532 = tpu.memref_slice %arg4[%mul3A_6, %dma_wait3A_531] : memref<819200x64xf32, #tpu.memory_space<hbm>> -> memref<640x64xf32, #tpu.memory_space<hbm>>
    %dma_wait3A_533 = arith.constant 0 : i32
    %dma_wait3A_534 = arith.constant 0 : i32
    %dma_wait3A_535 = tpu.memref_slice %arg6[%dma_wait3A_524, %dma_wait3A_533, %dma_wait3A_534] : memref<2x640x64xf32, #tpu.memory_space<vmem>> -> memref<1x640x64xf32, #tpu.memory_space<vmem>>
    %dma_wait3A_536 = tpu.memref_squeeze %dma_wait3A_535 : memref<1x640x64xf32, #tpu.memory_space<vmem>> -> memref<640x64xf32, #tpu.memory_space<vmem>>
    tpu.wait_dma2 semaphore(%arg9 : memref<!tpu.dma_semaphore, #tpu.memory_space<semaphore_mem>>) src(%dma_wait3A_536 : memref<640x64xf32, #tpu.memory_space<vmem>>) dst(%dma_wait3A_532 : memref<640x64xf32, #tpu.memory_space<hbm>>)
    %dma_wait3A_537 = arith.constant 1 : i32
    %dma_wait3A_538 = arith.constant 0 : i32
    %dma_wait3A_539 = arith.constant 0 : i32
    %dma_wait3A_540 = tpu.memref_slice %arg6[%dma_wait3A_537, %dma_wait3A_538, %dma_wait3A_539] : memref<2x640x64xf32, #tpu.memory_space<vmem>> -> memref<1x640x64xf32, #tpu.memory_space<vmem>>
    %dma_wait3A_541 = tpu.memref_squeeze %dma_wait3A_540 : memref<1x640x64xf32, #tpu.memory_space<vmem>> -> memref<640x64xf32, #tpu.memory_space<vmem>>
    %dma_wait3A_542 = arith.constant 0 : i32
    %dma_wait3A_543 = tpu.memref_slice %arg4[%mul3A_6, %dma_wait3A_542] : memref<819200x64xf32, #tpu.memory_space<hbm>> -> memref<640x64xf32, #tpu.memory_space<hbm>>
    %dma_wait3A_544 = arith.constant 0 : i32
    %dma_wait3A_545 = tpu.memref_slice %arg4[%mul3A_6, %dma_wait3A_544] : memref<819200x64xf32, #tpu.memory_space<hbm>> -> memref<640x64xf32, #tpu.memory_space<hbm>>
    %dma_wait3A_546 = arith.constant 0 : i32
    %dma_wait3A_547 = arith.constant 0 : i32
    %dma_wait3A_548 = tpu.memref_slice %arg6[%dma_wait3A_537, %dma_wait3A_546, %dma_wait3A_547] : memref<2x640x64xf32, #tpu.memory_space<vmem>> -> memref<1x640x64xf32, #tpu.memory_space<vmem>>
    %dma_wait3A_549 = tpu.memref_squeeze %dma_wait3A_548 : memref<1x640x64xf32, #tpu.memory_space<vmem>> -> memref<640x64xf32, #tpu.memory_space<vmem>>
    tpu.wait_dma2 semaphore(%arg10 : memref<!tpu.dma_semaphore, #tpu.memory_space<semaphore_mem>>) src(%dma_wait3A_549 : memref<640x64xf32, #tpu.memory_space<vmem>>) dst(%dma_wait3A_545 : memref<640x64xf32, #tpu.memory_space<hbm>>)
    return
  }
}

</mosaic_0001>

<sc_bundles>
// kernel: kernel.3.cloned.1.call-start
scs
__scs_entry_jumppad:
0x0: {  	(pc) =	sbr.rel $0x88, $3  }
0x1: {  	(tag) =	ssettag $0x0;
	lr =	simm.s32 $0x1  }
0x2: {  	[smem:$0x3F9F] =	sst lr;
	_ =	strace $0xD0000000  }
0x3: {  	_ = 	snop  }
0x4: {  	_ = 	snop  }
0x5: {  	_ = 	snop  }
0x6: {  	_ = 	snop  }
0x7: {  	_ = 	snop  }
__scs_overlays_trampoline_lowered:
0x8: {  	[smem:$0x3FAE] =	sst s0  }
0x9: {  	[smem:$0x3FAF] =	sst s1  }
0xa: {  	[smem:$0x3FB0] =	sst s2  }
0xb: {  	[smem:$0x3FB1] =	sst s3  }
0xc: {  	[smem:$0x3FB2] =	sst s4  }
0xd: {  	[smem:$0x3FB3] =	sst s5  }
0xe: {  	[smem:$0x3FB4] =	sst s6  }
0xf: {  	[smem:$0x3FB5] =	sst s7  }
0x10: {  	[smem:$0x3FB6] =	sst s8  }
0x11: {  	[smem:$0x3FB7] =	sst s9;
	s0 =	simm.s32 @!p0 $0x0  }
0x12: {  	s1 =	sld [smem:$0x3F9D];
	s0 =	simm.s32 @p0 $0x1  }
0x13: {  	[smem:$0x3FB8] =	sst s0;
	s0 =	simm.s32 @!p1 $0x0  }
0x14: {  	s2 =	sld [smem:$0x3F9C];
	s0 =	simm.s32 @p1 $0x1  }
0x15: {  	[smem:$0x3FB9] =	sst s0;
	s0 =	simm.s32 @!p2 $0x0  }
0x16: {  	s3 =	sld [smem:$0x3FDB];
	s0 =	simm.s32 @p2 $0x1  }
0x17: {  	s4 =	simm.s32 $0x1BF5;
	[smem:$0x3FBB] =	sst s0  }
0x18: {  	s0 =	sld [smem:$0x3F9E];
	_ =	swait.ge [sflag:s4], $0x0  }
0x19: {  	s7 =	sld [smem:$0x3F9F]  }
0x1a: {  	s8 =	sadd.s32 $0xFFFFE003, lr  }
0x1b: {  	s9 =	sadd.s32 $0xFFFFFEF7, lr;
	s5 =	simm.s32 $0xFFFFFFFF;
	p2 =	slt.u32 s8, $0xFFFFF086  }
0x1c: {  	p1 =	slt.u32 s9, $0xF7A;
	s5 =	simm.s32 @!p2 $0x0  }
0x1d: {  	s5 =	simm.s32 @p1 $0x1;
	p0 =	seq.s32 s7, s2  }
0x1e: {  	s7 =	smul.u32 @!p0 $0xF7A, s2;
	p2 =	seq.s32 @!p0 s5, $0x0  }
0x1f: {  	s9 =	smul.u32 $0xF7A, s1;
	s8 =	simm.s32 @!p0 $0x1BF5;
	p2 =	por !p2, p0  }
0x20: {  	[sflag:s8] =	ssyncset.s32 @!p0 $0xFFFFF086;
	s6 =	sadd.s32 @!p0 s3, s7;
	s7 =	simm.s32 @!p0 $0x108  }
0x21: {  	s3 =	sadd.s32 s3, s9;
	s6 =	sadd.s32 @!p0 $0x88, s6;
	s7 =	simm.s32 @p2 $0x1082  }
0x22: {  	[simem:s7], [sflag:s8] =	dma.local @!p0 [hbm:s6], $0xF7A  }
0x23: {  	s9 =	sor.u32 $0xD0000000, s2;
	s6 =	simm.s32 $0x108;
	_ =	swait.ge @!p0 [sflag:s8], $0x0  }
0x24: {  	s3 =	sadd.s32 $0x88, s3;
	s6 =	simm.s32 @!p1 $0x1082;
	[sflag:s4] =	ssyncset.s32 $0xFFFFF086  }
0x25: {  	[simem:s6], [sflag:s4] =	dma.local [hbm:s3], $0xF7A  }
0x26: {  	[smem:$0x3F9F] =	sst s1;
	(tag) =	ssettag s2;
	_ =	strace s9  }
0x27: {  	s1 =	sld [smem:$0x3FAF]  }
0x28: {  	s2 =	sld [smem:$0x3FB0]  }
0x29: {  	s4 =	sld [smem:$0x3FB2]  }
0x2a: {  	p0 =	seq.s32 s5, $0x0;
	s5 =	sld [smem:$0x3FB3]  }
0x2b: {  	s6 =	sld [smem:$0x3FB4]  }
0x2c: {  	s7 =	sld [smem:$0x3FB5]  }
0x2d: {  	s3 =	simm.s32 $0x108;
	s8 =	sld [smem:$0x3FB6]  }
0x2e: {  	s3 =	simm.s32 @!p0 $0x1082;
	s9 =	sld [smem:$0x3FB7]  }
0x2f: {  	lr =	sadd.s32 s0, s3;
	s0 =	sld [smem:$0x3FAE]  }
0x30: {  	s3 =	sld [smem:$0x3FB1]  }
0x31: {  	[smem:$0x3FBA] =	sst s10  }
0x32: {  	s10 =	sld [smem:$0x3FB8];
	_ =	sdelay $0x3  }
0x33: {  	p0 =	seq.s32 s10, $0x1;
	s10 =	sld [smem:$0x3FBA];
	_ =	sdelay $0x3  }
0x34: {  	[smem:$0x3FBA] =	sst s10  }
0x35: {  	s10 =	sld [smem:$0x3FB9];
	_ =	sdelay $0x3  }
0x36: {  	p1 =	seq.s32 s10, $0x1;
	s10 =	sld [smem:$0x3FBA];
	_ =	sdelay $0x3  }
0x37: {  	[smem:$0x3FBA] =	sst s10  }
0x38: {  	s10 =	sld [smem:$0x3FBB]  }
0x39: {  	_ = 	snop;
	(pc) =	sbr.ind lr, $3  }
0x3a: {  	_ = 	snop  }
0x3b: {  	_ = 	snop  }
0x3c: {  	p2 =	seq.s32 s10, $0x1;
	s10 =	sld [smem:$0x3FBA]  }
0x3d: {  	_ =	shalt  }
0x3e: {  	_ =	shalt  }
0x3f: {  	_ =	shalt  }
0x40: {  	_ =	shalt  }
0x41: {  	_ =	shalt  }
0x42: {  	_ =	shalt  }
0x43: {  	_ =	shalt  }
0x44: {  	_ =	shalt  }
0x45: {  	_ =	shalt  }
0x46: {  	_ =	shalt  }
0x47: {  	_ =	shalt  }
0x48: {  	_ =	shalt  }
0x49: {  	_ =	shalt  }
0x4a: {  	_ =	shalt  }
0x4b: {  	_ =	shalt  }
0x4c: {  	_ =	shalt  }
0x4d: {  	_ =	shalt  }
0x4e: {  	_ =	shalt  }
0x4f: {  	_ =	shalt  }
0x50: {  	_ =	shalt  }
0x51: {  	_ =	shalt  }
0x52: {  	_ =	shalt  }
0x53: {  	_ =	shalt  }
0x54: {  	_ =	shalt  }
0x55: {  	_ =	shalt  }
0x56: {  	_ =	shalt  }
0x57: {  	_ =	shalt  }
0x58: {  	_ =	shalt  }
0x59: {  	_ =	shalt  }
0x5a: {  	_ =	shalt  }
0x5b: {  	_ =	shalt  }
0x5c: {  	_ =	shalt  }
0x5d: {  	_ =	shalt  }
0x5e: {  	_ =	shalt  }
0x5f: {  	_ =	shalt  }
0x60: {  	_ =	shalt  }
0x61: {  	_ =	shalt  }
0x62: {  	_ =	shalt  }
0x63: {  	_ =	shalt  }
0x64: {  	_ =	shalt  }
0x65: {  	_ =	shalt  }
0x66: {  	_ =	shalt  }
0x67: {  	_ =	shalt  }
0x68: {  	_ =	shalt  }
0x69: {  	_ =	shalt  }
0x6a: {  	_ =	shalt  }
0x6b: {  	_ =	shalt  }
0x6c: {  	_ =	shalt  }
0x6d: {  	_ =	shalt  }
0x6e: {  	_ =	shalt  }
0x6f: {  	_ =	shalt  }
0x70: {  	_ =	shalt  }
0x71: {  	_ =	shalt  }
0x72: {  	_ =	shalt  }
0x73: {  	_ =	shalt  }
0x74: {  	_ =	shalt  }
0x75: {  	_ =	shalt  }
0x76: {  	_ =	shalt  }
0x77: {  	_ =	shalt  }
0x78: {  	_ =	shalt  }
0x79: {  	_ =	shalt  }
0x7a: {  	_ =	shalt  }
0x7b: {  	_ =	shalt  }
0x7c: {  	_ =	shalt  }
0x7d: {  	_ =	shalt  }
0x7e: {  	_ =	shalt  }
0x7f: {  	_ =	shalt  }
0x80: {  	_ =	shalt  }
0x81: {  	_ =	shalt  }
0x82: {  	_ =	shalt  }
0x83: {  	_ =	shalt  }
0x84: {  	_ =	shalt  }
0x85: {  	_ =	shalt  }
0x86: {  	_ =	shalt  }
0x87: {  	_ =	shalt  }
.Lfunc_end0:
.L_simem_size_0:
called_computation.1_lowered:
.L_overlay_start_0:
0x88: {  	s2 =	sld [smem:$0x3FD9]  }
0x89: {  	s3 =	sld [smem:$0x3FFE];
	_ =	sdelay $0x1  }
0x8a: {  	s1 =	srdreg.scid  }
0x8b: {  	s0 =	sand.u32 $0x1, s1  }
0x8c: {  	s17 =	sshll.u32 s0, $0xA;
	s2 =	sadd.s32 s3, s2  }
0x8d: {  	s2 =	sadd.s32 s2, s17  }
0x8e: {  	[smem:$0x3FC6] =	sst s2  }
0x8f: {  	_ = 	snop  }
0x90: {  	s2 =	sld [smem:$0x3FD0];
	(tm) =	ssettm $0x1  }
0x91: {  	s18 =	sld [smem:$0x3FFB];
	_ =	sdelay $0x3  }
0x92: {  	_ =	strace s18  }
0x93: {  	s3 =	sld [smem:$0x3FFC];
	_ =	sdelay $0x3  }
0x94: {  	_ =	strace s3  }
0x95: {  	s3 =	sld [smem:$0x3FFD];
	_ =	sdelay $0x3  }
0x96: {  	_ =	strace s3  }
0x97: {  	_ =	strace $0x8FFFFFFF  }
0x98: {  	s19 =	sld [smem:$0x3FDB];
	_ =	sdelay $0x1  }
0x99: {  	s4 =	simm.s32 $_scs_section_size  }
0x9a: {  	s5 =	simm.s32 $_size__tile_overlayer_lowered;
	s6 =	simm.s32 $_tile_overlayer_lowered  }
0x9b: {  	s22 =	simm.s32 $0x1BFF;
	s21 =	sshll.u32 s6, $0x1;
	s3 =	sadd.s32 s4, s19  }
0x9c: {  	s7 =	simm.s32 $0x0;
	s20 =	sshll.u32 s5, $0x1;
	s5 =	sadd.s32 s21, s3  }
0x9d: {  	[timem:s7], [sflag:s22] =	dma.local [hbm:s5], s20  }
0x9e: {  	_ =	swait.ge [sflag:s22], s20  }
0x9f: {  	s4 =	ssub.s32 $0x0, s20;
	[sflag:s22] =	ssyncset.done $0x0  }
0xa0: {  	[sflag:s22] =	ssyncadd.s32 s4;
	_ =	sdelay $0x1  }
0xa1: {  	s23 =	simm.s32 $0x1B8B  }
0xa2: {  	_ =	swait.ge [sflag:s23], $0x1  }
0xa3: {  	[sflag:s23] =	ssyncset.done $0x0  }
0xa4: {  	s25 =	simm.s32 $0x1B8E;
	s24 =	sld [smem:$0x3FFE];
	[sflag:s23] =	ssyncadd.s32 $0xFFFFFFFF  }
0xa5: {  	s26 =	simm.s32 $execute0_lowered;
	[smem:$0x3FD2] =	sst s25  }
0xa6: {  	s5 =	sshll.u32 s26, $0x1;
	_ =	strace $0x80000046;
	[dreg:$0x1] =	wrdreg $0xFFFFFFFF  }
0xa7: {  	s28 =	simm.s32 $_size_execute0_lowered;
	s3 =	sadd.s32 s3, s5;
	[dreg:$0x0] =	wrdreg $0x0  }
0xa8: {  	s5 =	sshll.u32 s28, $0x1;
	[dreg:$0x2] =	wrdreg s3  }
0xa9: {  	[dreg:$0x3] =	wrdreg s5  }
0xaa: {  	[dreg:$0x4] =	wrdreg $0xC0  }
0xab: {  	_ =	task [dreg:s7], $0x5FFFF  }
0xac: {  	[dreg:$0x1] =	wrdreg $0xFFFFFFFF  }
0xad: {  	[dreg:$0x0] =	wrdreg $0x60  }
0xae: {  	[dreg:$0x2] =	wrdreg s24  }
0xaf: {  	[dreg:$0x3] =	wrdreg s2  }
0xb0: {  	[dreg:$0x4] =	wrdreg $0x9  }
0xb1: {  	_ =	task.clear_ibuf [dreg:s7], $0x5FFFF;
	_ =	strace $0x90000046  }
0xb2: {  	s29 =	simm.s32 $0x9;
	_ =	strace $0x80000048  }
0xb3: {  	_ =	swait.ge [sflag:s29], $0x1  }
0xb4: {  	[sflag:s29] =	ssyncadd.s32 $0xFFFFFFFF  }
0xb5: {  	_ =	strace $0x90000048  }
0xb6: {  	_ =	sfence  }
0xb7: {  	s30 =	sld [smem:$0x0];
	_ =	sdelay $0x2  }
0xb8: {  	s31 =	sshll.u32 s1, $0xD;
	s1 =	sshrl.u32 s1, $0x2  }
0xb9: {  	s3 =	sand.u32 $0x4000, s31;
	s1 =	sadd.s32 s1, s30  }
0xba: {  	s0 =	sor.u32 s3, s0;
	s1 =	sshll.u32 s1, $0x11  }
0xbb: {  	s0 =	sor.u32 s1, s0  }
0xbc: {  	s0 =	sadd.s32 $0x8F2B, s0  }
0xbd: {  	[sflag:s0] =	ssyncadd.remote.s32 $0x1  }
0xbe: {  	_ =	sfence.sel $0xFFFF  }
0xbf: {  	[dreg:$0x0] =	wrdreg $0xFFFFFFFF;
	(pc) =	sbr.abs _section_cstart, $3  }
0xc0: {  	[dreg:$0x1] =	wrdreg $0xFFFFFFFF  }
0xc1: {  	_ =	task.clear_ibuf [dreg:s7], $0x2FFFF;
	_ =	strace $0x9FFFFFFF  }
0xc2: {  	(tm) =	ssettm $0x7FFFFFFF  }
0xc3: {  	_ =	shalt  }
tec
execute0_lowered:
.L_overlay_start_1:
0x0: {  	(tag) =	ssettag $0x1  }
0x1: {  	s0 =	srdreg.scid;
	s1 =	rddreg [dreg:$0x0]  }
0x2: {  	s12 =	stileid.u32;
	s5 =	rddreg [dreg:$0x1];
	s13 =	simm.s32 $0x80  }
0x3: {  	s14 =	simm.s32 $0x500;
	s15 =	simm.s32 $0x180;
	s16 =	simm.s32 $0x6500  }
0x4: {  	s17 =	simm.s32 $0x200;
	s18 =	simm.s32 $0x8500;
	s20 =	smul.u32 $0xC800, s12  }
0x5: {  	s29 =	simm.s32 $0x480;
	s0 =	sand.u32 $0x1, s0;
	s22 =	smul.u32 $0x190, s12  }
0x6: {  	s28 =	simm.s32 $0x12500;
	s2 =	sshll.u32 s12, $0x1;
	s21 =	smul.u32 $0x6400, s0  }
0x7: {  	s4 =	sor.u32 s0, s2;
	s8 =	ssub.s32 $0x2, s0;
	s0 =	smul.u32 $0xC8, s0  }
0x8: {  	s30 =	simm.s32 $0xC500;
	s31 =	simm.s32 $0x380;
	s6 =	smul.u32 $0xC8, s4  }
0x9: {  	s3 =	sadd.s32 $0xA00, s1;
	s2 =	simm.s32 $0x0;
	s7 =	smul.u32 $0x6400, s4  }
0xa: {  	s12 =	simm.s32 $0x1;
	[smem:$0x7FF] =	sst s2;
	s9 =	smul.u32 $0xC80, s4  }
0xb: {  	s10 =	sshrl.u32 s8, $0x1;
	s11 =	smul.u32 $0x32000, s4;
	s4 =	sadd.s32 $0xF42E00, s1  }
0xc: {  	_ =	strace $0x80000047;
	s19 =	ssub.s32 s8, s10;
	s0 =	sadd.s32 s0, s22  }
0xd: {  	s10 =	simm.s32 $0x100;
	s22 =	simm.s32 $0x280;
	s8 =	simm.s32 $0x3  }
0xe: {  	[dreg:$0x3] =	wrdreg s6;
	s9 =	sadd.s32 s3, s9;
	s7 =	sshrl.u32 s7, $0x3  }
0xf: {  	s6 =	sadd.s32 s21, s20;
	s23 =	sadd.s32 s5, s11;
	s1 =	smax.u32 s19, $0x1  }
0x10: {  	s0 =	sshll.u32 s0, $0x4;
	s11 =	simm.s32 $0x4500;
	s19 =	simm.s32 $0x300  }
0x11: {  	s20 =	simm.s32 $0xC500;
	s21 =	simm.s32 $0x380;
	[dreg:$0x6] =	wrdreg s9  }
0x12: {  	s9 =	sadd.s32 $0x50, s9;
	s7 =	sadd.s32 s3, s7;
	[dreg:$0x8] =	wrdreg s23  }
0x13: {  	s6 =	sshll.u32 s6, $0x3;
	s24 =	sadd.s32 $0x1400, s23;
	[dreg:$0xb] =	wrdreg s1  }
0x14: {  	s0 =	sadd.s32 s3, s0;
	s23 =	simm.s32 $0x5;
	[dreg:$0x7] =	wrdreg s9  }
0x15: {  	s1 =	simm.s32 $0xE500;
	s7 =	sadd.s32 $0xA0, s7;
	[dreg:$0xa] =	wrdreg s24  }
0x16: {  	s5 =	sadd.s32 s5, s6;
	s0 =	sadd.s32 $0xF0, s0;
	s9 =	simm.s32 $0x2500  }
0x17: {  	s24 =	simm.s32 $0x2;
	s6 =	simm.s32 $0x10500;
	[dreg:$0x9] =	wrdreg s7  }
0x18: {  	s25 =	sadd.s32 $0x2800, s5;
	s26 =	sadd.s32 $0x3C00, s5;
	[dreg:$0xc] =	wrdreg s0  }
0x19: {  	s0 =	simm.s32 $0x400;
	s5 =	simm.s32 $0x4;
	[dreg:$0x4] =	wrdreg s25  }
0x1a: {  	[dreg:$0x5] =	wrdreg s26;
	s25 =	simm.s32 $0xA500;
	s26 =	simm.s32 $0x0  }
.LBB2_1:
0x1b: {  	[dreg:$0xd] =	wrdreg s26  }
0x1c: {  	s7 =	rddreg [dreg:$0x6]  }
0x1d: {  	[tilespmem:s2], [sflag:$0x1] =	stream.linear.gather [hbm4b:s7+s2], $0x280, $0x38;
	[tilespmem:$0x14500] =	vst v63  }
0x1e: {  	_ =	swait.ge [sflag:s12], $0x280  }
0x1f: {  	[sflag:s12] =	ssyncset.done $0x0  }
0x20: {  	[sflag:s12] =	ssyncadd.s32 $0xFFFFFD80  }
0x21: {  	[tilespmem:s14], [sflag:$0x5] =	stream.indirect.gather [hbm4b:s4+s13], $0x40, s2, s13, $0xb8;
	[tilespmem:$0x14500] =	vst v63  }
0x22: {  	_ = 	snop  }
0x23: {  	[tilespmem:s9], [sflag:$0x5] =	stream.indirect.gather [hbm4b:s4+s13], $0x40, s13, s13, $0xb8;
	[tilespmem:$0x14500] =	vst v63  }
0x24: {  	_ = 	snop  }
0x25: {  	[tilespmem:s11], [sflag:$0x5] =	stream.indirect.gather [hbm4b:s4+s13], $0x40, s10, s13, $0xb8;
	[tilespmem:$0x14500] =	vst v63  }
0x26: {  	_ = 	snop  }
0x27: {  	[tilespmem:s16], [sflag:$0x5] =	stream.indirect.gather [hbm4b:s4+s13], $0x40, s15, s13, $0xb8;
	[tilespmem:$0x14500] =	vst v63  }
0x28: {  	_ = 	snop  }
0x29: {  	[tilespmem:s18], [sflag:$0x5] =	stream.indirect.gather [hbm4b:s4+s13], $0x40, s17, s13, $0xb8;
	[tilespmem:$0x14500] =	vst v63  }
0x2a: {  	s26 =	rddreg [dreg:$0x7]  }
0x2b: {  	[tilespmem:s22], [sflag:$0x2] =	stream.linear.gather [hbm4b:s26+s2], $0x280, $0x38;
	[tilespmem:$0x14500] =	vst v63  }
0x2c: {  	_ =	swait.ge [sflag:s23], $0x2000  }
0x2d: {  	[sflag:s23] =	ssyncset.done $0x0  }
0x2e: {  	[sflag:s23] =	ssyncadd.s32 $0xFFFFE000  }
0x2f: {  	_ =	swait.ge [sflag:s23], $0x2000  }
0x30: {  	[sflag:s23] =	ssyncset.done $0x0  }
0x31: {  	[sflag:s23] =	ssyncadd.s32 $0xFFFFE000  }
0x32: {  	_ =	swait.ge [sflag:s23], $0x2000  }
0x33: {  	[sflag:s23] =	ssyncset.done $0x0  }
0x34: {  	[sflag:s23] =	ssyncadd.s32 $0xFFFFE000  }
0x35: {  	_ =	swait.ge [sflag:s23], $0x2000  }
0x36: {  	[sflag:s23] =	ssyncset.done $0x0  }
0x37: {  	[sflag:s23] =	ssyncadd.s32 $0xFFFFE000  }
0x38: {  	_ =	swait.ge [sflag:s23], $0x2000  }
0x39: {  	[sflag:s23] =	ssyncset.done $0x0  }
0x3a: {  	s26 =	rddreg [dreg:$0x8];
	[sflag:s23] =	ssyncadd.s32 $0xFFFFE000  }
0x3b: {  	[hbm4b:s26+s2] =	stream.linear.scatter [tilespmem:s14], [sflag:$0x3], $0xA000, $0x38;
	[tilespmem:$0x14500] =	vst v63  }
0x3c: {  	_ =	swait.ge [sflag:s24], $0x280  }
0x3d: {  	[sflag:s24] =	ssyncset.done $0x0  }
0x3e: {  	[sflag:s24] =	ssyncadd.s32 $0xFFFFFD80  }
0x3f: {  	[tilespmem:s25], [sflag:$0x5] =	stream.indirect.gather [hbm4b:s4+s13], $0x40, s22, s13, $0xb8;
	[tilespmem:$0x14500] =	vst v63  }
0x40: {  	_ = 	snop  }
0x41: {  	[tilespmem:s20], [sflag:$0x5] =	stream.indirect.gather [hbm4b:s4+s13], $0x40, s19, s13, $0xb8;
	[tilespmem:$0x14500] =	vst v63  }
0x42: {  	_ = 	snop  }
0x43: {  	[tilespmem:s1], [sflag:$0x5] =	stream.indirect.gather [hbm4b:s4+s13], $0x40, s21, s13, $0xb8;
	[tilespmem:$0x14500] =	vst v63  }
0x44: {  	_ = 	snop  }
0x45: {  	[tilespmem:s6], [sflag:$0x5] =	stream.indirect.gather [hbm4b:s4+s13], $0x40, s0, s13, $0xb8;
	[tilespmem:$0x14500] =	vst v63  }
0x46: {  	_ = 	snop  }
0x47: {  	[tilespmem:s28], [sflag:$0x5] =	stream.indirect.gather [hbm4b:s4+s13], $0x40, s29, s13, $0xb8;
	[tilespmem:$0x14500] =	vst v63  }
0x48: {  	s26 =	rddreg [dreg:$0x9]  }
0x49: {  	[tilespmem:s2], [sflag:$0x1] =	stream.linear.gather [hbm4b:s26+s2], $0x280, $0x38;
	[tilespmem:$0x14500] =	vst v63  }
0x4a: {  	_ =	swait.ge [sflag:s23], $0x2000  }
0x4b: {  	[sflag:s23] =	ssyncset.done $0x0  }
0x4c: {  	[sflag:s23] =	ssyncadd.s32 $0xFFFFE000  }
0x4d: {  	_ =	swait.ge [sflag:s23], $0x2000  }
0x4e: {  	[sflag:s23] =	ssyncset.done $0x0  }
0x4f: {  	[sflag:s23] =	ssyncadd.s32 $0xFFFFE000  }
0x50: {  	_ =	swait.ge [sflag:s23], $0x2000  }
0x51: {  	[sflag:s23] =	ssyncset.done $0x0  }
0x52: {  	[sflag:s23] =	ssyncadd.s32 $0xFFFFE000  }
0x53: {  	_ =	swait.ge [sflag:s23], $0x2000  }
0x54: {  	[sflag:s23] =	ssyncset.done $0x0  }
0x55: {  	[sflag:s23] =	ssyncadd.s32 $0xFFFFE000  }
0x56: {  	_ =	swait.ge [sflag:s23], $0x2000  }
0x57: {  	[sflag:s23] =	ssyncset.done $0x0  }
0x58: {  	s26 =	rddreg [dreg:$0xa];
	[sflag:s23] =	ssyncadd.s32 $0xFFFFE000  }
0x59: {  	[hbm4b:s26+s2] =	stream.linear.scatter [tilespmem:s25], [sflag:$0x4], $0xA000, $0x38;
	[tilespmem:$0x14500] =	vst v63  }
0x5a: {  	_ =	swait.ge [sflag:s12], $0x280  }
0x5b: {  	[sflag:s12] =	ssyncset.done $0x0  }
0x5c: {  	[sflag:s12] =	ssyncadd.s32 $0xFFFFFD80  }
0x5d: {  	_ =	swait.ge [sflag:s8], $0xA000  }
0x5e: {  	[sflag:s8] =	ssyncset.done $0x0  }
0x5f: {  	[sflag:s8] =	ssyncadd.s32 $0xFFFF6000  }
0x60: {  	[tilespmem:s14], [sflag:$0x5] =	stream.indirect.gather [hbm4b:s4+s13], $0x40, s2, s13, $0xb8;
	[tilespmem:$0x14500] =	vst v63  }
0x61: {  	_ = 	snop  }
0x62: {  	[tilespmem:s9], [sflag:$0x5] =	stream.indirect.gather [hbm4b:s4+s13], $0x40, s13, s13, $0xb8;
	[tilespmem:$0x14500] =	vst v63  }
0x63: {  	_ = 	snop  }
0x64: {  	[tilespmem:s11], [sflag:$0x5] =	stream.indirect.gather [hbm4b:s4+s13], $0x40, s10, s13, $0xb8;
	[tilespmem:$0x14500] =	vst v63  }
0x65: {  	_ = 	snop  }
0x66: {  	[tilespmem:s16], [sflag:$0x5] =	stream.indirect.gather [hbm4b:s4+s13], $0x40, s15, s13, $0xb8;
	[tilespmem:$0x14500] =	vst v63  }
0x67: {  	_ = 	snop  }
0x68: {  	[tilespmem:s18], [sflag:$0x5] =	stream.indirect.gather [hbm4b:s4+s13], $0x40, s17, s13, $0xb8;
	[tilespmem:$0x14500] =	vst v63  }
0x69: {  	s16 =	rddreg [dreg:$0xc]  }
0x6a: {  	[tilespmem:s22], [sflag:$0x2] =	stream.linear.gather [hbm4b:s16+s2], $0x280, $0x38;
	[tilespmem:$0x14500] =	vst v63  }
0x6b: {  	_ =	swait.ge [sflag:s23], $0x2000  }
0x6c: {  	[sflag:s23] =	ssyncset.done $0x0  }
0x6d: {  	[sflag:s23] =	ssyncadd.s32 $0xFFFFE000  }
0x6e: {  	_ =	swait.ge [sflag:s23], $0x2000  }
0x6f: {  	[sflag:s23] =	ssyncset.done $0x0  }
0x70: {  	[sflag:s23] =	ssyncadd.s32 $0xFFFFE000  }
0x71: {  	_ =	swait.ge [sflag:s23], $0x2000  }
0x72: {  	[sflag:s23] =	ssyncset.done $0x0  }
0x73: {  	[sflag:s23] =	ssyncadd.s32 $0xFFFFE000  }
0x74: {  	_ =	swait.ge [sflag:s23], $0x2000  }
0x75: {  	[sflag:s23] =	ssyncset.done $0x0  }
0x76: {  	[sflag:s23] =	ssyncadd.s32 $0xFFFFE000  }
0x77: {  	_ =	swait.ge [sflag:s23], $0x2000  }
0x78: {  	s17 =	rddreg [dreg:$0x4];
	[sflag:s23] =	ssyncset.done $0x0  }
0x79: {  	[sflag:s23] =	ssyncadd.s32 $0xFFFFE000;
	s7 =	sadd.s32 $0x0, s17  }
0x7a: {  	[hbm4b:s7+s2] =	stream.linear.scatter [tilespmem:s14], [sflag:$0x3], $0xA000, $0x38;
	[tilespmem:$0x14500] =	vst v63  }
0x7b: {  	_ =	swait.ge [sflag:s24], $0x280  }
0x7c: {  	[sflag:s24] =	ssyncset.done $0x0  }
0x7d: {  	[sflag:s24] =	ssyncadd.s32 $0xFFFFFD80  }
0x7e: {  	_ =	swait.ge [sflag:s5], $0xA000  }
0x7f: {  	[sflag:s5] =	ssyncset.done $0x0  }
0x80: {  	p0 =	por $0x0, $0x0;
	s7 =	simm.s32 $0x14;
	[sflag:s5] =	ssyncadd.s32 $0xFFFF6000  }
0x81: {  	[tilespmem:s25], [sflag:$0x5] =	stream.indirect.gather [hbm4b:s4+s13], $0x40, s22, s13, $0xb8;
	[tilespmem:$0x14500] =	vst v63  }
0x82: {  	s7 =	simm.s32 @p0 $0x0;
	s18 =	rddreg [dreg:$0x3]  }
0x83: {  	[tilespmem:s20], [sflag:$0x5] =	stream.indirect.gather [hbm4b:s4+s13], $0x40, s19, s13, $0xb8;
	[tilespmem:$0x14500] =	vst v63  }
0x84: {  	s7 =	sadd.s32 s18, s7  }
0x85: {  	[tilespmem:s1], [sflag:$0x5] =	stream.indirect.gather [hbm4b:s4+s13], $0x40, s21, s13, $0xb8;
	[tilespmem:$0x14500] =	vst v63  }
0x86: {  	s7 =	sshll.u32 s7, $0x4  }
0x87: {  	[tilespmem:s6], [sflag:$0x5] =	stream.indirect.gather [hbm4b:s4+s13], $0x40, s0, s13, $0xb8;
	[tilespmem:$0x14500] =	vst v63  }
0x88: {  	s7 =	sand.u32 $0x1FFFFFE0, s7  }
0x89: {  	[tilespmem:s28], [sflag:$0x5] =	stream.indirect.gather [hbm4b:s4+s13], $0x40, s29, s13, $0xb8;
	[tilespmem:$0x14500] =	vst v63  }
0x8a: {  	s7 =	sadd.s32 s3, s7  }
0x8b: {  	[tilespmem:s2], [sflag:$0x1] =	stream.linear.gather [hbm4b:s7+s2], $0x280, $0x38;
	[tilespmem:$0x14500] =	vst v63  }
0x8c: {  	_ =	swait.ge [sflag:s23], $0x2000  }
0x8d: {  	[sflag:s23] =	ssyncset.done $0x0  }
0x8e: {  	s26 =	simm.s32 $0x200;
	[sflag:s23] =	ssyncadd.s32 $0xFFFFE000  }
0x8f: {  	s9 =	simm.s32 $0x1E;
	s10 =	simm.s32 $0x0;
	_ =	swait.ge [sflag:s23], $0x2000  }
0x90: {  	s11 =	sadd.s32 $0xA0, s16;
	s17 =	simm.s32 $0x2500;
	[sflag:s23] =	ssyncset.done $0x0  }
0x91: {  	s18 =	simm.s32 $0x480;
	s19 =	simm.s32 $0x4500;
	[sflag:s23] =	ssyncadd.s32 $0xFFFFE000  }
0x92: {  	s20 =	simm.s32 $0x180;
	s1 =	simm.s32 $0xE500;
	_ =	swait.ge [sflag:s23], $0x2000  }
0x93: {  	s21 =	simm.s32 $0x6500;
	s0 =	simm.s32 $0x400;
	[sflag:s23] =	ssyncset.done $0x0  }
0x94: {  	s6 =	simm.s32 $0x10500;
	s29 =	simm.s32 $0x300;
	[sflag:s23] =	ssyncadd.s32 $0xFFFFE000  }
0x95: {  	s28 =	simm.s32 $0x12500;
	s7 =	simm.s32 $0x2800;
	_ =	swait.ge [sflag:s23], $0x2000  }
.LBB2_2:
0x96: {  	[sflag:s23] =	ssyncset.done $0x0  }
0x97: {  	[sflag:s23] =	ssyncadd.s32 $0xFFFFE000  }
0x98: {  	_ =	swait.ge [sflag:s23], $0x2000  }
0x99: {  	[sflag:s23] =	ssyncset.done $0x0;
	s16 =	rddreg [dreg:$0x5]  }
0x9a: {  	[sflag:s23] =	ssyncadd.s32 $0xFFFFE000;
	s16 =	sadd.s32 s10, s16  }
0x9b: {  	[hbm4b:s16+s2] =	stream.linear.scatter [tilespmem:s25], [sflag:$0x4], $0xA000, $0x38;
	[tilespmem:$0x14500] =	vst v63  }
0x9c: {  	_ =	swait.ge [sflag:s12], $0x280  }
0x9d: {  	[sflag:s12] =	ssyncset.done $0x0  }
0x9e: {  	[sflag:s12] =	ssyncadd.s32 $0xFFFFFD80  }
0x9f: {  	_ =	swait.ge [sflag:s8], $0xA000  }
0xa0: {  	[sflag:s8] =	ssyncset.done $0x0  }
0xa1: {  	[sflag:s8] =	ssyncadd.s32 $0xFFFF6000  }
0xa2: {  	[tilespmem:s14], [sflag:$0x5] =	stream.indirect.gather [hbm4b:s4+s13], $0x40, s2, s13, $0xb8;
	[tilespmem:$0x14500] =	vst v63  }
0xa3: {  	_ = 	snop  }
0xa4: {  	[tilespmem:s17], [sflag:$0x5] =	stream.indirect.gather [hbm4b:s4+s13], $0x40, s13, s13, $0xb8;
	[tilespmem:$0x14500] =	vst v63  }
0xa5: {  	s16 =	simm.s32 $0x100  }
0xa6: {  	[tilespmem:s19], [sflag:$0x5] =	stream.indirect.gather [hbm4b:s4+s13], $0x40, s16, s13, $0xb8;
	[tilespmem:$0x14500] =	vst v63  }
0xa7: {  	_ = 	snop  }
0xa8: {  	[tilespmem:s21], [sflag:$0x5] =	stream.indirect.gather [hbm4b:s4+s13], $0x40, s20, s13, $0xb8;
	[tilespmem:$0x14500] =	vst v63  }
0xa9: {  	s16 =	simm.s32 $0x8500  }
0xaa: {  	[tilespmem:s16], [sflag:$0x5] =	stream.indirect.gather [hbm4b:s4+s13], $0x40, s26, s13, $0xb8;
	[tilespmem:$0x14500] =	vst v63  }
0xab: {  	_ = 	snop  }
0xac: {  	[tilespmem:s22], [sflag:$0x2] =	stream.linear.gather [hbm4b:s11+s2], $0x280, $0x38;
	[tilespmem:$0x14500] =	vst v63  }
0xad: {  	_ =	swait.ge [sflag:s23], $0x2000  }
0xae: {  	[sflag:s23] =	ssyncset.done $0x0  }
0xaf: {  	[sflag:s23] =	ssyncadd.s32 $0xFFFFE000  }
0xb0: {  	_ =	swait.ge [sflag:s23], $0x2000  }
0xb1: {  	[sflag:s23] =	ssyncset.done $0x0  }
0xb2: {  	[sflag:s23] =	ssyncadd.s32 $0xFFFFE000  }
0xb3: {  	_ =	swait.ge [sflag:s23], $0x2000  }
0xb4: {  	[sflag:s23] =	ssyncset.done $0x0  }
0xb5: {  	[sflag:s23] =	ssyncadd.s32 $0xFFFFE000  }
0xb6: {  	_ =	swait.ge [sflag:s23], $0x2000  }
0xb7: {  	[sflag:s23] =	ssyncset.done $0x0  }
0xb8: {  	[sflag:s23] =	ssyncadd.s32 $0xFFFFE000  }
0xb9: {  	s15 =	smov.u32 s7;
	_ =	swait.ge [sflag:s23], $0x2000  }
0xba: {  	s10 =	smov.u32 s15;
	[sflag:s23] =	ssyncset.done $0x0;
	s16 =	rddreg [dreg:$0x4]  }
0xbb: {  	[sflag:s23] =	ssyncadd.s32 $0xFFFFE000;
	s15 =	sadd.s32 s10, s16  }
0xbc: {  	[hbm4b:s15+s2] =	stream.linear.scatter [tilespmem:s14], [sflag:$0x3], $0xA000, $0x38;
	[tilespmem:$0x14500] =	vst v63  }
0xbd: {  	_ =	swait.ge [sflag:s24], $0x280  }
0xbe: {  	[sflag:s24] =	ssyncset.done $0x0  }
0xbf: {  	[sflag:s24] =	ssyncadd.s32 $0xFFFFFD80  }
0xc0: {  	_ =	swait.ge [sflag:s5], $0xA000  }
0xc1: {  	[sflag:s5] =	ssyncset.done $0x0  }
0xc2: {  	p1 =	seq.s32 s10, $0x2D000;
	s16 =	smov.u32 s9;
	[sflag:s5] =	ssyncadd.s32 $0xFFFF6000  }
0xc3: {  	[tilespmem:s25], [sflag:$0x5] =	stream.indirect.gather [hbm4b:s4+s13], $0x40, s22, s13, $0xb8;
	[tilespmem:$0x14500] =	vst v63  }
0xc4: {  	s16 =	simm.s32 @p1 $0x0;
	s15 =	rddreg [dreg:$0x3]  }
0xc5: {  	[tilespmem:s30], [sflag:$0x5] =	stream.indirect.gather [hbm4b:s4+s13], $0x40, s29, s13, $0xb8;
	[tilespmem:$0x14500] =	vst v63  }
0xc6: {  	s15 =	sadd.s32 s15, s16  }
0xc7: {  	[tilespmem:s1], [sflag:$0x5] =	stream.indirect.gather [hbm4b:s4+s13], $0x40, s31, s13, $0xb8;
	[tilespmem:$0x14500] =	vst v63  }
0xc8: {  	s15 =	sshll.u32 s15, $0x4  }
0xc9: {  	[tilespmem:s6], [sflag:$0x5] =	stream.indirect.gather [hbm4b:s4+s13], $0x40, s0, s13, $0xb8;
	[tilespmem:$0x14500] =	vst v63  }
0xca: {  	s15 =	sand.u32 $0x1FFFFFE0, s15  }
0xcb: {  	[tilespmem:s28], [sflag:$0x5] =	stream.indirect.gather [hbm4b:s4+s13], $0x40, s18, s13, $0xb8;
	[tilespmem:$0x14500] =	vst v63  }
0xcc: {  	s15 =	sadd.s32 s3, s15  }
0xcd: {  	[tilespmem:s2], [sflag:$0x1] =	stream.linear.gather [hbm4b:s15+s2], $0x280, $0x38;
	[tilespmem:$0x14500] =	vst v63  }
0xce: {  	_ =	swait.ge [sflag:s23], $0x2000  }
0xcf: {  	[sflag:s23] =	ssyncset.done $0x0  }
0xd0: {  	[sflag:s23] =	ssyncadd.s32 $0xFFFFE000  }
0xd1: {  	_ =	swait.ge [sflag:s23], $0x2000  }
0xd2: {  	p0 =	sne.s32 s7, $0x2D000;
	[sflag:s23] =	ssyncset.done $0x0  }
.Ltmp0:
0xd3: {  	[sflag:s23] =	ssyncadd.s32 $0xFFFFE000;
	(pc) =	sbr.rel @p0 .LBB2_2-.Ltmp0, $4  }
0xd4: {  	_ =	swait.ge [sflag:s23], $0x2000  }
0xd5: {  	[sflag:s23] =	ssyncset.done $0x0  }
0xd6: {  	s7 =	sadd.s32 $0x2800, s7;
	[sflag:s23] =	ssyncadd.s32 $0xFFFFE000  }
0xd7: {  	s11 =	sadd.s32 $0xA0, s11;
	s9 =	sadd.s32 $0xA, s9;
	_ =	swait.ge [sflag:s23], $0x2000  }
0xd8: {  	[sflag:s23] =	ssyncset.done $0x0  }
0xd9: {  	[sflag:s23] =	ssyncadd.s32 $0xFFFFE000  }
0xda: {  	_ =	swait.ge [sflag:s23], $0x2000  }
0xdb: {  	s7 =	rddreg [dreg:$0x5];
	[sflag:s23] =	ssyncset.done $0x0  }
0xdc: {  	[sflag:s23] =	ssyncadd.s32 $0xFFFFE000;
	s7 =	sadd.s32 s10, s7  }
0xdd: {  	[hbm4b:s7+s2] =	stream.linear.scatter [tilespmem:s25], [sflag:$0x4], $0xA000, $0x38;
	[tilespmem:$0x14500] =	vst v63  }
0xde: {  	_ =	swait.ge [sflag:s12], $0x280  }
0xdf: {  	[sflag:s12] =	ssyncset.done $0x0  }
0xe0: {  	[sflag:s12] =	ssyncadd.s32 $0xFFFFFD80  }
0xe1: {  	_ =	swait.ge [sflag:s8], $0xA000  }
0xe2: {  	[sflag:s8] =	ssyncset.done $0x0  }
0xe3: {  	[sflag:s8] =	ssyncadd.s32 $0xFFFF6000  }
0xe4: {  	_ =	swait.ge [sflag:s5], $0xA000  }
0xe5: {  	s26 =	rddreg [dreg:$0xd]  }
0xe6: {  	s9 =	simm.s32 $0x2500;
	s21 =	rddreg [dreg:$0xb];
	s26 =	sadd.s32 $0x1, s26  }
0xe7: {  	s11 =	simm.s32 $0x4500;
	s15 =	simm.s32 $0x180;
	p0 =	sne.s32 s26, s21  }
.Ltmp1:
0xe8: {  	s16 =	simm.s32 $0x6500;
	s17 =	simm.s32 $0x200;
	(pc) =	sbr.rel @p0 .LBB2_1-.Ltmp1, $4  }
0xe9: {  	s18 =	simm.s32 $0x8500;
	s19 =	simm.s32 $0x300;
	s20 =	simm.s32 $0xC500  }
0xea: {  	s1 =	simm.s32 $0xE500;
	s0 =	simm.s32 $0x400;
	s6 =	simm.s32 $0x10500  }
0xeb: {  	s29 =	simm.s32 $0x480;
	s28 =	simm.s32 $0x12500;
	[sflag:s5] =	ssyncset.done $0x0  }
0xec: {  	s10 =	simm.s32 $0x100;
	[sflag:s5] =	ssyncadd.s32 $0xFFFF6000;
	s21 =	simm.s32 $0x380  }
0xed: {  	_ =	sfence.sel $0x180000  }
0xee: {  	[bflag:$0x0] =	sbarrier.arrive $0xFFFF  }
0xef: {  	_ =	strace $0x90000047  }
0xf0: {  	s0 =	stileid.u32;
	[bflag:$0x2] =	sbarrier.arrive $0xFFFF  }
0xf1: {  	p0 =	sne.s32 s0, $0x0;
	s0 =	rddreg [dreg:$0x2]  }
0xf2: {  	s0 =	sadd.s32 @!p0 $0x100000, s0  }
0xf3: {  	[sflag:s0] =	ssyncadd.tile.s32 @!p0 $0x1;
	_ =	shalt  }
.Lfunc_end2:
_tile_overlayer_lowered:
.L_overlay_start_2:
0xf4: {  	(tag) =	ssettag $0x2  }
0xf5: {  	s0 =	rddreg [dreg:$0x0];
	s2 =	stileid.u32  }
0xf6: {  	s1 =	rddreg [dreg:$0x1];
	p0 =	sne.s32 s2, $0x0  }
0xf7: {  	s3 =	rddreg [dreg:$0x2];
	[bflag:$0x3] =	sbarrier.arrive $0xFFFF;
	s2 =	simm.s32 @!p0 $0x1C06  }
0xf8: {  	[timem:s3], [sflag:s2] =	dma.local @!p0 [hbm:s0], s1  }
0xf9: {  	s0 =	simm.s32 @!p0 $0x6  }
0xfa: {  	_ =	swait.ge @!p0 [sflag:s0], s1  }
0xfb: {  	s1 =	ssub.s32 @!p0 $0x0, s1;
	[sflag:s0] =	ssyncset.done @!p0 $0x0  }
0xfc: {  	[sflag:s0] =	ssyncadd.s32 @!p0 s1  }
0xfd: {  	[bflag:$0x3] =	sbarrier.arrive $0xFFFF  }
0xfe: {  	_ =	shalt  }

// kernel: sparse-core-data-format-call.cloned.1.call-start
scs
called_computation_lowered:
.L_overlay_start_0:
0x0: {  	s2 =	sld [smem:$0x3FD9]  }
0x1: {  	s3 =	sld [smem:$0x3FFE];
	_ =	sdelay $0x1  }
0x2: {  	s1 =	srdreg.scid  }
0x3: {  	s0 =	sand.u32 $0x1, s1  }
0x4: {  	s18 =	sshll.u32 s0, $0xA;
	s2 =	sadd.s32 s3, s2  }
0x5: {  	s2 =	sadd.s32 s2, s18  }
0x6: {  	[smem:$0x3FC6] =	sst s2  }
0x7: {  	_ = 	snop  }
0x8: {  	s2 =	sld [smem:$0x3FD0];
	(tm) =	ssettm $0x1  }
0x9: {  	s19 =	sld [smem:$0x3FFB];
	_ =	sdelay $0x3  }
0xa: {  	_ =	strace s19  }
0xb: {  	s3 =	sld [smem:$0x3FFC];
	_ =	sdelay $0x3  }
0xc: {  	_ =	strace s3  }
0xd: {  	s3 =	sld [smem:$0x3FFD];
	_ =	sdelay $0x3  }
0xe: {  	_ =	strace s3  }
0xf: {  	_ =	strace $0x8FFFFFFF  }
0x10: {  	s20 =	sld [smem:$0x3FDB];
	_ =	sdelay $0x1  }
0x11: {  	s4 =	simm.s32 $_scs_section_size  }
0x12: {  	s5 =	simm.s32 $_size__tile_overlayer_lowered;
	s6 =	simm.s32 $_tile_overlayer_lowered  }
0x13: {  	s23 =	simm.s32 $0x1BFF;
	s22 =	sshll.u32 s6, $0x1;
	s3 =	sadd.s32 s4, s20  }
0x14: {  	s7 =	simm.s32 $0x0;
	s21 =	sshll.u32 s5, $0x1;
	s5 =	sadd.s32 s22, s3  }
0x15: {  	[timem:s7], [sflag:s23] =	dma.local [hbm:s5], s21  }
0x16: {  	_ =	swait.ge [sflag:s23], s21  }
0x17: {  	s4 =	ssub.s32 $0x0, s21;
	[sflag:s23] =	ssyncset.done $0x0  }
0x18: {  	[sflag:s23] =	ssyncadd.s32 s4;
	_ =	sdelay $0x1  }
0x19: {  	s24 =	simm.s32 $0x1B8B  }
0x1a: {  	_ =	swait.ge [sflag:s24], $0x1  }
0x1b: {  	[sflag:s24] =	ssyncset.done $0x0  }
0x1c: {  	s26 =	simm.s32 $0x1B8E;
	s25 =	sld [smem:$0x3FFE];
	[sflag:s24] =	ssyncadd.s32 $0xFFFFFFFF  }
0x1d: {  	s27 =	simm.s32 $execute0_lowered;
	[smem:$0x3FD2] =	sst s26  }
0x1e: {  	s5 =	sshll.u32 s27, $0x1;
	_ =	strace $0x80000049;
	[dreg:$0x1] =	wrdreg $0xFFFFFFFF  }
0x1f: {  	s28 =	simm.s32 $_size_execute0_lowered;
	s3 =	sadd.s32 s3, s5;
	[dreg:$0x0] =	wrdreg $0x0  }
0x20: {  	s5 =	sshll.u32 s28, $0x1;
	[dreg:$0x2] =	wrdreg s3  }
0x21: {  	[dreg:$0x3] =	wrdreg s5  }
0x22: {  	[dreg:$0x4] =	wrdreg $0xC0  }
0x23: {  	_ =	task [dreg:s7], $0x5FFFF  }
0x24: {  	[dreg:$0x1] =	wrdreg $0xFFFFFFFF  }
0x25: {  	[dreg:$0x0] =	wrdreg $0x60  }
0x26: {  	[dreg:$0x2] =	wrdreg s25  }
0x27: {  	[dreg:$0x3] =	wrdreg s2  }
0x28: {  	[dreg:$0x4] =	wrdreg $0x9  }
0x29: {  	_ =	task.clear_ibuf [dreg:s7], $0x5FFFF;
	_ =	strace $0x90000049  }
0x2a: {  	s29 =	simm.s32 $0x9;
	_ =	strace $0x8000004B  }
0x2b: {  	_ =	swait.ge [sflag:s29], $0x1  }
0x2c: {  	[sflag:s29] =	ssyncadd.s32 $0xFFFFFFFF  }
0x2d: {  	_ =	strace $0x9000004B  }
0x2e: {  	_ =	sfence  }
0x2f: {  	s30 =	sld [smem:$0x0];
	_ =	sdelay $0x2  }
0x30: {  	s31 =	sshll.u32 s1, $0xD;
	s1 =	sshrl.u32 s1, $0x2  }
0x31: {  	s3 =	sand.u32 $0x4000, s31;
	s1 =	sadd.s32 s1, s30  }
0x32: {  	s0 =	sor.u32 s3, s0;
	s1 =	sshll.u32 s1, $0x11  }
0x33: {  	s0 =	sor.u32 s1, s0  }
0x34: {  	s0 =	sadd.s32 $0x8F2B, s0  }
0x35: {  	[sflag:s0] =	ssyncadd.remote.s32 $0x1  }
0x36: {  	_ =	sfence.sel $0xFFFF  }
0x37: {  	[dreg:$0x0] =	wrdreg $0xFFFFFFFF;
	(pc) =	sbr.abs _section_cstart, $3  }
0x38: {  	[dreg:$0x1] =	wrdreg $0xFFFFFFFF  }
0x39: {  	_ =	task.clear_ibuf [dreg:s7], $0x2FFFF;
	_ =	strace $0x9FFFFFFF  }
0x3a: {  	(tm) =	ssettm $0x7FFFFFFF  }
0x3b: {  	_ =	shalt  }
tec
execute0_lowered:
.L_overlay_start_1:
0x0: {  	(tag) =	ssettag $0x1  }
0x1: {  	s0 =	srdreg.scid  }
0x2: {  	s1 =	sshll.u32 s0, $0x4  }
0x3: {  	s0 =	stileid.u32;
	s1 =	sand.u32 $0x10, s1  }
0x4: {  	s1 =	sor.u32 s0, s1  }
0x5: {  	s6 =	rddreg [dreg:$0x0];
	s4 =	simm.s32 $0x1;
	s2 =	sshll.u32 s1, $0x7  }
0x6: {  	s7 =	simm.s32 $0x2;
	s12 =	simm.s32 $0x0;
	s1 =	ssub.s32 $0x1000, s2  }
0x7: {  	s8 =	simm.s32 $0x8000;
	s13 =	simm.s32 $0x0;
	s3 =	sand.u32 $0xF80, s1  }
0x8: {  	s9 =	simm.s32 $0x0;
	s5 =	sshrl.u32 s1, $0xC;
	p0 =	sne.s32 s3, $0x0  }
.Ltmp0:
0x9: {  	s1 =	rddreg [dreg:$0x2];
	s4 =	simm.s32 @!p0 $0x0;
	(pc) =	sbr.rel .LBB1_1-.Ltmp0, $4  }
0xa: {  	s11 =	simm.s32 $0x0;
	s3 =	rddreg [dreg:$0x1];
	s5 =	sadd.s32 s4, s5  }
0xb: {  	_ =	strace $0x8000004A;
	s4 =	simm.s32 $0x1;
	s5 =	smul.u32 $0xC8, s5  }
0xc: {  	s6 =	sadd.s32 $0xA00, s6;
	s10 =	smov.u32 s2;
	[sflag:s4] =	ssyncpa.u1 $0x0  }
0xd: {  	p0 =	por $0x0, $0x0;
	[sflag:s7] =	ssyncpa.u1 $0x0;
	s7 =	sor.u32 $0x1, s5  }
.LBB1_4:
0xe: {  	s16 =	sshll.u32 s13, $0x3;
	s17 =	sand.u32 $0x78, s13  }
0xf: {  	s30 =	sand.u32 $0x7E00, s13;
	s12 =	sshll.u32 s12, $0xF;
	s16 =	sand.u32 $0xC00, s16  }
0x10: {  	[tilespmem:s15+$0x810 ss:$0x81] =	vst.msk $0xffff, v2;
	s31 =	sand.u32 $0x7, s13;
	s16 =	sor.u32 s17, s16;
	s17 =	sadd.s32 s3, s30  }
0x11: {  	[tilespmem:s15+$0x1020 ss:$0x81] =	vst.msk $0xffff, v0;
	s13 =	sshll.u32 s31, $0x12;
	s12 =	sadd.s32 s12, s17;
	s16 =	sshrl.u32 s16, $0x3  }
0x12: {  	[tilespmem:s15+$0x0 ss:$0x81] =	vst.msk $0xffff, v1;
	s13 =	sor.u32 $0x400, s13;
	s12 =	sadd.s32 s16, s12  }
0x13: {  	[hbm4b:s12+s13] =	stream.strided.scatter [tilespmem:s14], [sflag:$0x2], $0x2000, s8, s13, $0x20;
	[tilespmem:$0x8080] =	vst v63  }
.LBB1_5:
0x14: {  	s14 =	sadd.s32 $0x1, s9  }
0x15: {  	s12 =	sadd.s32 $0x1000, s10;
	s16 =	smov.u32 s10;
	p2 =	sgt.s32 s14, $0xC7  }
0x16: {  	s16 =	smov.u32 @p2 s12  }
0x17: {  	s14 =	simm.s32 @p2 $0x0;
	p2 =	sgt.s32 s16, $0xFFF  }
0x18: {  	s16 =	smov.u32 @p2 s2;
	p2 =	sne.s32 s11, s7  }
.Ltmp1:
0x19: {  	p1 =	slt.u32 s11, $0x2;
	(pc) =	sbr.rel @!p2 .LBB1_6-.Ltmp1, $4  }
0x1a: {  	s15 =	simm.s32 @!p1 $0x2  }
0x1b: {  	s13 =	smov.u32 s10;
	p0 =	por !p0, !p0;
	_ =	swait.ge @!p1 [sflag:s15], $0x2000  }
0x1c: {  	s12 =	smov.u32 s9;
	[sflag:s15] =	ssyncset.done @!p1 $0x0;
	s9 =	smov.u32 s14  }
0x1d: {  	s11 =	sadd.s32 $0x1, s11;
	[sflag:s15] =	ssyncadd.s32 @!p1 $0xFFFFE000;
	s10 =	smov.u32 s16  }
.LBB1_1:
0x1e: {  	p1 =	sge.u32 s11, s5  }
0x1f: {  	s14 =	sand.u32 @!p1 $0x1FFFFFF, s9  }
0x20: {  	s15 =	smulhi.u32 @!p1 $0x147AE15, s14;
	_ =	sdelay $0x1  }
0x21: {  	s15 =	smul.u32 @!p1 $0xC8, s15  }
0x22: {  	s16 =	sxor.u32 @!p1 $0xFFFFFFFF, s11;
	s17 =	smul.u32 @!p1 $0xC80, s10  }
0x23: {  	s31 =	sadd.s32 $0xFFFFFFFF, s11;
	s16 =	sshll.u32 @!p1 s16, $0xD;
	s14 =	ssub.s32 @!p1 s14, s15  }
0x24: {  	s15 =	sand.u32 @!p1 $0x2000, s16;
	s16 =	sadd.s32 @!p1 s6, s17;
	s14 =	sshll.u32 @!p1 s14, $0x4  }
0x25: {  	s17 =	simm.s32 @!p1 $0x6400;
	s14 =	sadd.s32 @!p1 s14, s16;
	s16 =	simm.s32 @!p1 $0x40  }
0x26: {  	[tilespmem:s15], [sflag:$0x1] =	stream.strided.gather @!p1 [hbm4b:s14+s16], $0x2000, s17, s16, $0x38;
	[tilespmem:$0x8080] =	vst v63  }
0x27: {  	p1 =	sge.u32 s31, s5  }
.Ltmp2:
0x28: {  	_ = 	snop;
	(pc) =	sbr.rel @p1 .LBB1_5-.Ltmp2, $1  }
0x29: {  	_ =	sdelay $0x3  }
0x2a: {  	s14 =	simm.s32 $0x1  }
0x2b: {  	_ =	swait.ge [sflag:s4], $0x2000;
	s14 =	simm.s32 @!p0 $0x0  }
0x2c: {  	[sflag:s4] =	ssyncset.done $0x0;
	s15 =	sshll.u32 s14, $0xD  }
0x2d: {  	[sflag:s4] =	ssyncadd.s32 $0xFFFFE000;
	s18 =	sor.u32 $0x20, s15  }
0x2e: {  	s14 =	smul.u32 $0x8100, s14;
	v3 =	vld [tilespmem:s18+$0x10]  }
0x2f: {  	s30 =	sand.u32 $0x1, s11;
	v2 =	vld [tilespmem:s18+$0xFFFFFFF0]  }
0x30: {  	s15 =	smul.u32 $0x8100, s30;
	s14 =	sshrl.u32 s14, $0x2;
	v0 =	vld [tilespmem:s18+$0x0]  }
0x31: {  	v1 =	vld [tilespmem:s18+$0xFFFFFFE0];
	s16 =	sor.u32 $0x4000, s14  }
0x32: {  	s31 =	sshrl.u32 s15, $0x2;
	s15 =	sadd.s32 $0x0, s16  }
0x33: {  	s17 =	simm.s32 $0x4;
	s18 =	sadd.s32 $0x40, s18;
	s14 =	sor.u32 $0x4000, s31;
	[tilespmem:s15+$0x1830 ss:$0x81] =	vst.msk $0xffff, v3  }
.LBB1_3:
0x34: {  	v3 =	vld [tilespmem:s18+$0x10];
	p1 =	sne.s32 s17, $0x1FC;
	[tilespmem:s15+$0x810 ss:$0x81] =	vst.msk $0xffff, v2;
	s19 =	smov.u32 s17;
	s17 =	sadd.s32 $0x4, s17  }
.Ltmp3:
0x35: {  	v2 =	vld [tilespmem:s18+$0xFFFFFFF0];
	[tilespmem:s15+$0x1020 ss:$0x81] =	vst.msk $0xffff, v0;
	(pc) =	sbr.rel @p1 .LBB1_3-.Ltmp3, $4  }
0x36: {  	v0 =	vld [tilespmem:s18+$0x0];
	[tilespmem:s15+$0x0 ss:$0x81] =	vst.msk $0xffff, v1  }
0x37: {  	s15 =	sshra.s32 s19, $0x2;
	v1 =	vld [tilespmem:s18+$0xFFFFFFE0]  }
0x38: {  	s15 =	sadd.s32 s15, s16  }
0x39: {  	s18 =	sadd.s32 $0x40, s18;
	[tilespmem:s15+$0x1830 ss:$0x81] =	vst.msk $0xffff, v3  }
.Ltmp4:
0x3a: {  	_ = 	snop;
	(pc) =	sbr.rel .LBB1_4-.Ltmp4, $1  }
0x3b: {  	_ =	sdelay $0x3  }
.LBB1_6:
0x3c: {  	_ =	sfence.sel $0x180000  }
0x3d: {  	s2 =	simm.s32 $0x1;
	[bflag:$0x0] =	sbarrier.arrive $0xFFFF  }
0x3e: {  	s31 =	simm.s32 $0x2;
	[sflag:s2] =	ssyncpa.u1 $0x1  }
0x3f: {  	[sflag:s31] =	ssyncpa.u1 $0x1  }
0x40: {  	p0 =	sne.s32 s0, $0x0;
	_ =	strace $0x9000004A  }
0x41: {  	s0 =	sadd.s32 @!p0 $0x100000, s1;
	[bflag:$0x2] =	sbarrier.arrive $0xFFFF  }
0x42: {  	[sflag:s0] =	ssyncadd.tile.s32 @!p0 $0x1;
	_ =	shalt  }
.Lfunc_end1:
_tile_overlayer_lowered:
.L_overlay_start_2:
0x43: {  	(tag) =	ssettag $0x2  }
0x44: {  	s0 =	rddreg [dreg:$0x0];
	s2 =	stileid.u32  }
0x45: {  	s1 =	rddreg [dreg:$0x1];
	p0 =	sne.s32 s2, $0x0  }
0x46: {  	s3 =	rddreg [dreg:$0x2];
	[bflag:$0x3] =	sbarrier.arrive $0xFFFF;
	s2 =	simm.s32 @!p0 $0x1C01  }
0x47: {  	[timem:s3], [sflag:s2] =	dma.local @!p0 [hbm:s0], s1  }
0x48: {  	s0 =	simm.s32 @!p0 $0x1  }
0x49: {  	_ =	swait.ge @!p0 [sflag:s0], s1  }
0x4a: {  	s1 =	ssub.s32 @!p0 $0x0, s1;
	[sflag:s0] =	ssyncset.done @!p0 $0x0  }
0x4b: {  	[sflag:s0] =	ssyncadd.s32 @!p0 s1  }
0x4c: {  	[bflag:$0x3] =	sbarrier.arrive $0xFFFF  }
0x4d: {  	_ =	shalt  }

</sc_bundles>
